<compile_context>
chip_gen: v7x
topology: tpu7x:2x2x1
jax: 0.10.2.dev20260603
libtpu: 0.0.44.dev20260713+nightly
codegen_flags: <defaults>
</compile_context>

<pallas_src>
import functools

import jax
import jax.numpy as jnp
from jax import lax
from jax.experimental import pallas as pl
from jax.experimental.pallas import tpu as pltpu
from jax.experimental.pallas import tpu_sc as plsc

NC = 2
NS = 16
CH = 128
NB = 2


def _leaky(v):
    return jnp.where(v >= 0, v, 0.01 * v)


def _build_edge_agg(n_acc, w, kch, count_deg):
    mesh = plsc.VectorSubcoreMesh(core_axis_name="c", subcore_axis_name="s")
    rpt = n_acc // NS
    zchunks = [(z * CH, CH) for z in range(rpt // CH)]
    if rpt % CH:
        zchunks.append((rpt - rpt % CH, rpt % CH))

    out_types = [jax.ShapeDtypeStruct((NC, n_acc, w), jnp.float32)]
    scratch = [
        pltpu.VMEM((kch, CH), jnp.int32),
        pltpu.VMEM((kch, CH), jnp.int32),
        [pltpu.VMEM((CH, w), jnp.float32) for _ in range(NB)],
        pltpu.VMEM_SHARED((n_acc, w), jnp.float32),
        [pltpu.SemaphoreType.DMA for _ in range(NB)],
    ]
    if count_deg:
        out_types.append(jax.ShapeDtypeStruct((NC, n_acc, 16), jnp.float32))
        scratch += [
            pltpu.VMEM((CH, 16), jnp.float32),
            pltpu.VMEM_SHARED((n_acc, 16), jnp.float32),
        ]

    @functools.partial(
        pl.kernel,
        out_type=tuple(out_types) if count_deg else out_types[0],
        mesh=mesh,
        scratch_types=scratch,
        compiler_params=pltpu.CompilerParams(use_tc_tiling_on_sc=False),
    )
    def agg(table_hbm, src_hbm, dst_hbm, out_hbm, *rest):
        if count_deg:
            deg_hbm, src_v, dst_v, bufs, acc, sems, ones_b, dacc = rest
        else:
            src_v, dst_v, bufs, acc, sems = rest
        c = lax.axis_index("c")
        s = lax.axis_index("s")
        plane = table_hbm.at[c]
        pltpu.sync_copy(src_hbm.at[pl.ds(s * kch, kch)], src_v)
        pltpu.sync_copy(dst_hbm.at[pl.ds(s * kch, kch)], dst_v)
        zeros16 = jnp.zeros((16,), jnp.float32)

        def zrow(i, carry):
            for j in range(w // 16):
                bufs[0][i, pl.ds(j * 16, 16)] = zeros16
            return carry

        lax.fori_loop(0, CH, zrow, None)
        for zoff, zlen in zchunks:
            pltpu.sync_copy(bufs[0].at[pl.ds(0, zlen)],
                            acc.at[pl.ds(s * rpt + zoff, zlen)])
        if count_deg:
            def fill(val):
                def go(i, carry):
                    ones_b[i, pl.ds(0, 16)] = val
                    return carry
                lax.fori_loop(0, CH, go, None)

            fill(zeros16)
            for zoff, zlen in zchunks:
                pltpu.sync_copy(ones_b.at[pl.ds(0, zlen)],
                                dacc.at[pl.ds(s * rpt + zoff, zlen)])
            fill(zeros16 + 1.0)
        plsc.subcore_barrier()

        def start(j, i):
            pltpu.async_copy(plane.at[src_v.at[j]], bufs[i], sems[i])

        def wait(j, i):
            pltpu.make_async_copy(plane.at[src_v.at[j]], bufs[i], sems[i]).wait()

        def scat(j, i):
            pltpu.sync_copy(bufs[i], acc.at[dst_v.at[j]], add=True)

        def deg_scat(j):
            pltpu.sync_copy(ones_b, dacc.at[dst_v.at[j]], add=True)

        for i in range(NB):
            start(i, i)

        def body(k, carry):
            j0 = NB * k
            for i in range(NB):
                wait(j0 + i, i)
                scat(j0 + i, i)
                start(j0 + i + NB, i)
                if count_deg:
                    @pl.when(c == i)
                    def _():
                        deg_scat(j0 + i)
            return carry

        lax.fori_loop(0, kch // NB - 1, body, None)
        jlast = kch - NB
        for i in range(NB):
            wait(jlast + i, i)
            scat(jlast + i, i)
            if count_deg:
                @pl.when(c == i)
                def _():
                    deg_scat(jlast + i)
        plsc.subcore_barrier()
        pltpu.sync_copy(acc.at[pl.ds(s * rpt, rpt)],
                        out_hbm.at[c, pl.ds(s * rpt, rpt)])
        if count_deg:
            pltpu.sync_copy(dacc.at[pl.ds(s * rpt, rpt)],
                            deg_hbm.at[c, pl.ds(s * rpt, rpt)])

    return agg


def _dense_mid(parts_ref, degs_ref, x_ref, wl_ref, bl_ref, wr_ref, wg_ref,
               out_ref):
    d = x_ref.shape[1]
    hd = d // 2
    p = parts_ref[...]
    summed = jnp.concatenate([p[0], p[1]], axis=1)
    dg = degs_ref[...]
    deg = dg[0, :, 0:1] + dg[1, :, 0:1]
    mean = summed / jnp.maximum(deg, 1.0)
    h = (jnp.dot(mean, wl_ref[...], preferred_element_type=jnp.float32)
         + bl_ref[...]
         + jnp.dot(x_ref[...], wr_ref[...], preferred_element_type=jnp.float32))
    h = _leaky(h)
    hw = jnp.dot(h, wg_ref[...], preferred_element_type=jnp.float32)
    out_ref[0] = hw[:, :hd]
    out_ref[1] = hw[:, hd:]


def _final(parts_ref, x_ref, bg_ref, out_ref):
    p = parts_ref[...]
    hw_sum = jnp.concatenate([p[0], p[1]], axis=1)
    out_ref[...] = _leaky(hw_sum + bg_ref[...]) + x_ref[...]


def kernel(x, edge_index, W_sage_l, b_sage_l, W_sage_r, W_gcn, b_gcn):
    n, d = x.shape
    e = edge_index.shape[1]
    hd = d // 2

    ept = -(-e // (NS * NB * CH)) * NB * CH
    e_pad = ept * NS
    kch = ept // CH
    n_acc = -(-(n + 1) // NS) * NS

    src = edge_index[0]
    dst = edge_index[1]
    pad = e_pad - e
    src2d = jnp.concatenate([src, jnp.zeros((pad,), jnp.int32)]).reshape(-1, CH)
    dst2d = jnp.concatenate([dst, jnp.full((pad,), n, jnp.int32)]).reshape(-1, CH)
    table1 = jnp.stack([x[:, :hd], x[:, hd:]], axis=0)

    parts1, degs = _build_edge_agg(n_acc, hd, kch, True)(table1, src2d, dst2d)

    bn = 1024
    gn = -(-n // bn)
    hw_split = pl.pallas_call(
        _dense_mid,
        grid=(gn,),
        in_specs=[
            pl.BlockSpec((NC, bn, hd), lambda i: (0, i, 0)),
            pl.BlockSpec((NC, bn, 16), lambda i: (0, i, 0)),
            pl.BlockSpec((bn, d), lambda i: (i, 0)),
            pl.BlockSpec((d, d), lambda i: (0, 0)),
            pl.BlockSpec((1, d), lambda i: (0, 0)),
            pl.BlockSpec((d, d), lambda i: (0, 0)),
            pl.BlockSpec((d, d), lambda i: (0, 0)),
        ],
        out_specs=pl.BlockSpec((NC, bn, hd), lambda i: (0, i, 0)),
        out_shape=jax.ShapeDtypeStruct((NC, n, hd), jnp.float32),
    )(parts1, degs, x, W_sage_l, b_sage_l.reshape(1, d), W_sage_r, W_gcn)

    parts2 = _build_edge_agg(n_acc, hd, kch, False)(hw_split, src2d, dst2d)

    out = pl.pallas_call(
        _final,
        grid=(gn,),
        in_specs=[
            pl.BlockSpec((NC, bn, hd), lambda i: (0, i, 0)),
            pl.BlockSpec((bn, d), lambda i: (i, 0)),
            pl.BlockSpec((1, d), lambda i: (0, 0)),
        ],
        out_specs=pl.BlockSpec((bn, d), lambda i: (i, 0)),
        out_shape=jax.ShapeDtypeStruct((n, d), jnp.float32),
    )(parts2, x, b_gcn.reshape(1, d))
    return out

# --- scband reference (transcript-rebuilt; emitter-appended) ---
"""Pipeline reference for scband-gnn-block-29506425323528 (READ-ONLY COPY).

The authoritative reference and input builder live on the scoring server;
editing this copy changes nothing except your own understanding.
"""

import jax, jax.numpy as jnp
import numpy as np

N = 10000
E = 320000
D = 128


def _leaky_relu(x):
    return jnp.where(x >= 0, x, 0.01 * x)


def setup_inputs(seed: int = 0) -> dict:
    key = jax.random.key(seed)
    ks = jax.random.split(key, 6)
    x = jax.random.normal(ks[0], (N, D), dtype=jnp.float32)
    edge_index = jax.random.randint(ks[1], (2, E), 0, N, dtype=jnp.int32)
    s = 1.0 / np.sqrt(D)
    W_sage_l = jax.random.uniform(ks[2], (D, D), minval=-s, maxval=s, dtype=jnp.float32)
    b_sage_l = jnp.zeros((D,), dtype=jnp.float32)
    W_sage_r = jax.random.uniform(ks[3], (D, D), minval=-s, maxval=s, dtype=jnp.float32)
    W_gcn = jax.random.uniform(ks[4], (D, D), minval=-s, maxval=s, dtype=jnp.float32)
    b_gcn = jnp.zeros((D,), dtype=jnp.float32)
    return {"x": x, "edge_index": edge_index, "W_sage_l": W_sage_l, "b_sage_l": b_sage_l, "W_sage_r": W_sage_r, "W_gcn": W_gcn, "b_gcn": b_gcn}


def reference(x, edge_index, W_sage_l, b_sage_l, W_sage_r, W_gcn, b_gcn):
    src = edge_index[0]
    dst = edge_index[1]
    residual = x
    # SAGEConv (aggr='mean', normalize=False, root_weight=True):
    # out_i = mean_{j -> i}(x_j) @ W_l + b_l + x_i @ W_r
    msg = jnp.take(x, src, axis=0)
    summed = jax.ops.segment_sum(msg, dst, num_segments=N)
    deg = jax.ops.segment_sum(jnp.ones((E,), dtype=jnp.float32), dst, num_segments=N)
    mean = summed / jnp.maximum(deg, 1.0)[:, None]
    h = mean @ W_sage_l + b_sage_l + x @ W_sage_r
    h = _leaky_relu(h)
    # GCNConv (normalize=False, edge_weight=None => unit weights, no self-loops):
    # out_i = sum_{j -> i}((x_j @ W)) + b
    hw = h @ W_gcn
    out = jax.ops.segment_sum(jnp.take(hw, src, axis=0), dst, num_segments=N) + b_gcn
    out = _leaky_relu(out)
    return out + residual

if __name__ == "__main__":
    import jax
    _d = setup_inputs()
    print(jax.jit(kernel)(*tuple(_d.values())))

</pallas_src>

<mosaic_0001>
#map = affine_map<(d0, d1) -> (0, 0, 0)>
#map1 = affine_map<(d0, d1) -> (0, 0)>
module attributes {stable_mosaic.version = 14 : i64} {
  func.func @agg(%arg0: i32, %arg1: i32, %arg2: memref<2x10000x64xf32, #tpu.memory_space<hbm>>, %arg3: memref<2528x128xi32, #tpu.memory_space<hbm>>, %arg4: memref<2528x128xi32, #tpu.memory_space<hbm>>, %arg5: memref<2x10016x64xf32, #tpu.memory_space<hbm>>, %arg6: memref<2x10016x16xf32, #tpu.memory_space<hbm>>, %arg7: memref<158x128xi32, #tpu.memory_space<vmem>>, %arg8: memref<158x128xi32, #tpu.memory_space<vmem>>, %arg9: memref<128x64xf32, #tpu.memory_space<vmem>>, %arg10: memref<128x64xf32, #tpu.memory_space<vmem>>, %arg11: memref<10016x64xf32, #tpu.memory_space<vmem_shared>>, %arg12: memref<!tpu.dma_semaphore, #tpu.memory_space<semaphore_mem>>, %arg13: memref<!tpu.dma_semaphore, #tpu.memory_space<semaphore_mem>>, %arg14: memref<128x16xf32, #tpu.memory_space<vmem>>, %arg15: memref<10016x16xf32, #tpu.memory_space<vmem_shared>>) attributes {dimension_semantics = [#tpu.dimension_semantics<core_parallel>, #tpu.dimension_semantics<subcore_parallel>], iteration_bounds = array<i64: 2, 16>, scalar_prefetch = 0 : i64, scratch_operands = 9 : i64, tpu.core_type = #tpu.core_type<sc_vector_subcore>, window_params = [{transform_indices = #map}, {transform_indices = #map1}, {transform_indices = #map1}, {transform_indices = #map}, {transform_indices = #map}]} {
    %mul3A = arith.constant 158 : i32
    %mul3A_0 = arith.muli %arg1, %mul3A : i32
    "tpu.region"() ({
      %run_scoped3A_124 = tpu.sem_alloc : memref<!tpu.dma_semaphore, #tpu.memory_space<semaphore_mem>>
      %dma_start3A_125 = arith.constant 0 : i32
      %dma_start3A_126 = tpu.memref_slice %arg3[%mul3A_0, %dma_start3A_125] : memref<2528x128xi32, #tpu.memory_space<hbm>> -> memref<158x128xi32, #tpu.memory_space<hbm>>
      %dma_start3A_127 = arith.constant 0 : i32
      %dma_start3A_128 = tpu.memref_slice %arg3[%mul3A_0, %dma_start3A_127] : memref<2528x128xi32, #tpu.memory_space<hbm>> -> memref<158x128xi32, #tpu.memory_space<hbm>>
      tpu.enqueue_dma source(%dma_start3A_128 : memref<158x128xi32, #tpu.memory_space<hbm>>) target(%arg7 : memref<158x128xi32, #tpu.memory_space<vmem>>) target_semaphore(%run_scoped3A_124 : memref<!tpu.dma_semaphore, #tpu.memory_space<semaphore_mem>>)
      %dma_wait3A_129 = arith.constant 0 : i32
      %dma_wait3A_130 = tpu.memref_slice %arg3[%mul3A_0, %dma_wait3A_129] : memref<2528x128xi32, #tpu.memory_space<hbm>> -> memref<158x128xi32, #tpu.memory_space<hbm>>
      %dma_wait3A_131 = arith.constant 0 : i32
      %dma_wait3A_132 = tpu.memref_slice %arg3[%mul3A_0, %dma_wait3A_131] : memref<2528x128xi32, #tpu.memory_space<hbm>> -> memref<158x128xi32, #tpu.memory_space<hbm>>
      tpu.wait_dma2 semaphore(%run_scoped3A_124 : memref<!tpu.dma_semaphore, #tpu.memory_space<semaphore_mem>>) src(%dma_wait3A_132 : memref<158x128xi32, #tpu.memory_space<hbm>>) dst(%arg7 : memref<158x128xi32, #tpu.memory_space<vmem>>)
      tpu.yield
    }) : () -> ()
    %mul3A_1 = arith.constant 158 : i32
    %mul3A_2 = arith.muli %arg1, %mul3A_1 : i32
    "tpu.region"() ({
      %run_scoped3A_124 = tpu.sem_alloc : memref<!tpu.dma_semaphore, #tpu.memory_space<semaphore_mem>>
      %dma_start3A_125 = arith.constant 0 : i32
      %dma_start3A_126 = tpu.memref_slice %arg4[%mul3A_2, %dma_start3A_125] : memref<2528x128xi32, #tpu.memory_space<hbm>> -> memref<158x128xi32, #tpu.memory_space<hbm>>
      %dma_start3A_127 = arith.constant 0 : i32
      %dma_start3A_128 = tpu.memref_slice %arg4[%mul3A_2, %dma_start3A_127] : memref<2528x128xi32, #tpu.memory_space<hbm>> -> memref<158x128xi32, #tpu.memory_space<hbm>>
      tpu.enqueue_dma source(%dma_start3A_128 : memref<158x128xi32, #tpu.memory_space<hbm>>) target(%arg8 : memref<158x128xi32, #tpu.memory_space<vmem>>) target_semaphore(%run_scoped3A_124 : memref<!tpu.dma_semaphore, #tpu.memory_space<semaphore_mem>>)
      %dma_wait3A_129 = arith.constant 0 : i32
      %dma_wait3A_130 = tpu.memref_slice %arg4[%mul3A_2, %dma_wait3A_129] : memref<2528x128xi32, #tpu.memory_space<hbm>> -> memref<158x128xi32, #tpu.memory_space<hbm>>
      %dma_wait3A_131 = arith.constant 0 : i32
      %dma_wait3A_132 = tpu.memref_slice %arg4[%mul3A_2, %dma_wait3A_131] : memref<2528x128xi32, #tpu.memory_space<hbm>> -> memref<158x128xi32, #tpu.memory_space<hbm>>
      tpu.wait_dma2 semaphore(%run_scoped3A_124 : memref<!tpu.dma_semaphore, #tpu.memory_space<semaphore_mem>>) src(%dma_wait3A_132 : memref<158x128xi32, #tpu.memory_space<hbm>>) dst(%arg8 : memref<158x128xi32, #tpu.memory_space<vmem>>)
      tpu.yield
    }) : () -> ()
    %broadcast_in_dim3A = arith.constant 0.000000e+00 : f32
    %broadcast_in_dim3A_3 = vector.broadcast %broadcast_in_dim3A : f32 to vector<16xf32>
    %scan3A = arith.constant 0 : i32
    %scan3A_4 = arith.constant 128 : i32
    %scan3A_5 = arith.addi %scan3A, %scan3A_4 : i32
    %scan3A_6 = arith.constant 1 : i32
    scf.for %scan3A_124 = %scan3A to %scan3A_5 step %scan3A_6  : i32 {
      %swap3A = arith.index_cast %scan3A_124 : i32 to index
      %swap3A_125 = arith.constant 0 : index
      %swap3A_126 = tpu.vector_load %arg9[%swap3A, %swap3A_125] {strides = array<i32>} : memref<128x64xf32, #tpu.memory_space<vmem>>, vector<1x16xf32>,
      %swap3A_127 = vector.shape_cast %swap3A_126 : vector<1x16xf32> to vector<16xf32>
      %swap3A_128 = vector.shape_cast %broadcast_in_dim3A_3 : vector<16xf32> to vector<1x16xf32>
      tpu.vector_store %arg9[%swap3A, %swap3A_125], %swap3A_128 {strides = array<i32>} : memref<128x64xf32, #tpu.memory_space<vmem>>, vector<1x16xf32>,
      %swap3A_129 = arith.index_cast %scan3A_124 : i32 to index
      %swap3A_130 = arith.constant 16 : index
      %swap3A_131 = tpu.vector_load %arg9[%swap3A_129, %swap3A_130] {strides = array<i32>} : memref<128x64xf32, #tpu.memory_space<vmem>>, vector<1x16xf32>,
      %swap3A_132 = vector.shape_cast %swap3A_131 : vector<1x16xf32> to vector<16xf32>
      %swap3A_133 = vector.shape_cast %broadcast_in_dim3A_3 : vector<16xf32> to vector<1x16xf32>
      tpu.vector_store %arg9[%swap3A_129, %swap3A_130], %swap3A_133 {strides = array<i32>} : memref<128x64xf32, #tpu.memory_space<vmem>>, vector<1x16xf32>,
      %swap3A_134 = arith.index_cast %scan3A_124 : i32 to index
      %swap3A_135 = arith.constant 32 : index
      %swap3A_136 = tpu.vector_load %arg9[%swap3A_134, %swap3A_135] {strides = array<i32>} : memref<128x64xf32, #tpu.memory_space<vmem>>, vector<1x16xf32>,
      %swap3A_137 = vector.shape_cast %swap3A_136 : vector<1x16xf32> to vector<16xf32>
      %swap3A_138 = vector.shape_cast %broadcast_in_dim3A_3 : vector<16xf32> to vector<1x16xf32>
      tpu.vector_store %arg9[%swap3A_134, %swap3A_135], %swap3A_138 {strides = array<i32>} : memref<128x64xf32, #tpu.memory_space<vmem>>, vector<1x16xf32>,
      %swap3A_139 = arith.index_cast %scan3A_124 : i32 to index
      %swap3A_140 = arith.constant 48 : index
      %swap3A_141 = tpu.vector_load %arg9[%swap3A_139, %swap3A_140] {strides = array<i32>} : memref<128x64xf32, #tpu.memory_space<vmem>>, vector<1x16xf32>,
      %swap3A_142 = vector.shape_cast %swap3A_141 : vector<1x16xf32> to vector<16xf32>
      %swap3A_143 = vector.shape_cast %broadcast_in_dim3A_3 : vector<16xf32> to vector<1x16xf32>
      tpu.vector_store %arg9[%swap3A_139, %swap3A_140], %swap3A_143 {strides = array<i32>} : memref<128x64xf32, #tpu.memory_space<vmem>>, vector<1x16xf32>,
    }
    %scan3A_7 = arith.constant 128 : i32
    %mul3A_8 = arith.constant 626 : i32
    %mul3A_9 = arith.muli %arg1, %mul3A_8 : i32
    %add3A = arith.constant 0 : i32
    %add3A_10 = arith.addi %mul3A_9, %add3A : i32
    "tpu.region"() ({
      %run_scoped3A_124 = tpu.sem_alloc : memref<!tpu.dma_semaphore, #tpu.memory_space<semaphore_mem>>
      %dma_start3A_125 = arith.constant 0 : i32
      %dma_start3A_126 = arith.constant 0 : i32
      %dma_start3A_127 = tpu.memref_slice %arg9[%dma_start3A_125, %dma_start3A_126] : memref<128x64xf32, #tpu.memory_space<vmem>> -> memref<128x64xf32, #tpu.memory_space<vmem>>
      %dma_start3A_128 = arith.constant 0 : i32
      %dma_start3A_129 = tpu.memref_slice %arg11[%add3A_10, %dma_start3A_128] : memref<10016x64xf32, #tpu.memory_space<vmem_shared>> -> memref<128x64xf32, #tpu.memory_space<vmem_shared>>
      %dma_start3A_130 = arith.constant 0 : i32
      %dma_start3A_131 = tpu.memref_slice %arg11[%add3A_10, %dma_start3A_130] : memref<10016x64xf32, #tpu.memory_space<vmem_shared>> -> memref<128x64xf32, #tpu.memory_space<vmem_shared>>
      %dma_start3A_132 = arith.constant 0 : i32
      %dma_start3A_133 = arith.constant 0 : i32
      %dma_start3A_134 = tpu.memref_slice %arg9[%dma_start3A_132, %dma_start3A_133] : memref<128x64xf32, #tpu.memory_space<vmem>> -> memref<128x64xf32, #tpu.memory_space<vmem>>
      tpu.enqueue_dma source(%dma_start3A_134 : memref<128x64xf32, #tpu.memory_space<vmem>>) target(%dma_start3A_131 : memref<128x64xf32, #tpu.memory_space<vmem_shared>>) target_semaphore(%run_scoped3A_124 : memref<!tpu.dma_semaphore, #tpu.memory_space<semaphore_mem>>)
      %dma_wait3A_135 = arith.constant 0 : i32
      %dma_wait3A_136 = arith.constant 0 : i32
      %dma_wait3A_137 = tpu.memref_slice %arg9[%dma_wait3A_135, %dma_wait3A_136] : memref<128x64xf32, #tpu.memory_space<vmem>> -> memref<128x64xf32, #tpu.memory_space<vmem>>
      %dma_wait3A_138 = arith.constant 0 : i32
      %dma_wait3A_139 = tpu.memref_slice %arg11[%add3A_10, %dma_wait3A_138] : memref<10016x64xf32, #tpu.memory_space<vmem_shared>> -> memref<128x64xf32, #tpu.memory_space<vmem_shared>>
      %dma_wait3A_140 = arith.constant 0 : i32
      %dma_wait3A_141 = tpu.memref_slice %arg11[%add3A_10, %dma_wait3A_140] : memref<10016x64xf32, #tpu.memory_space<vmem_shared>> -> memref<128x64xf32, #tpu.memory_space<vmem_shared>>
      %dma_wait3A_142 = arith.constant 0 : i32
      %dma_wait3A_143 = arith.constant 0 : i32
      %dma_wait3A_144 = tpu.memref_slice %arg9[%dma_wait3A_142, %dma_wait3A_143] : memref<128x64xf32, #tpu.memory_space<vmem>> -> memref<128x64xf32, #tpu.memory_space<vmem>>
      tpu.wait_dma2 semaphore(%run_scoped3A_124 : memref<!tpu.dma_semaphore, #tpu.memory_space<semaphore_mem>>) src(%dma_wait3A_144 : memref<128x64xf32, #tpu.memory_space<vmem>>) dst(%dma_wait3A_141 : memref<128x64xf32, #tpu.memory_space<vmem_shared>>)
      tpu.yield
    }) : () -> ()
    %mul3A_11 = arith.constant 626 : i32
    %mul3A_12 = arith.muli %arg1, %mul3A_11 : i32
    %add3A_13 = arith.constant 128 : i32
    %add3A_14 = arith.addi %mul3A_12, %add3A_13 : i32
    "tpu.region"() ({
      %run_scoped3A_124 = tpu.sem_alloc : memref<!tpu.dma_semaphore, #tpu.memory_space<semaphore_mem>>
      %dma_start3A_125 = arith.constant 0 : i32
      %dma_start3A_126 = arith.constant 0 : i32
      %dma_start3A_127 = tpu.memref_slice %arg9[%dma_start3A_125, %dma_start3A_126] : memref<128x64xf32, #tpu.memory_space<vmem>> -> memref<128x64xf32, #tpu.memory_space<vmem>>
      %dma_start3A_128 = arith.constant 0 : i32
      %dma_start3A_129 = tpu.memref_slice %arg11[%add3A_14, %dma_start3A_128] : memref<10016x64xf32, #tpu.memory_space<vmem_shared>> -> memref<128x64xf32, #tpu.memory_space<vmem_shared>>
      %dma_start3A_130 = arith.constant 0 : i32
      %dma_start3A_131 = tpu.memref_slice %arg11[%add3A_14, %dma_start3A_130] : memref<10016x64xf32, #tpu.memory_space<vmem_shared>> -> memref<128x64xf32, #tpu.memory_space<vmem_shared>>
      %dma_start3A_132 = arith.constant 0 : i32
      %dma_start3A_133 = arith.constant 0 : i32
      %dma_start3A_134 = tpu.memref_slice %arg9[%dma_start3A_132, %dma_start3A_133] : memref<128x64xf32, #tpu.memory_space<vmem>> -> memref<128x64xf32, #tpu.memory_space<vmem>>
      tpu.enqueue_dma source(%dma_start3A_134 : memref<128x64xf32, #tpu.memory_space<vmem>>) target(%dma_start3A_131 : memref<128x64xf32, #tpu.memory_space<vmem_shared>>) target_semaphore(%run_scoped3A_124 : memref<!tpu.dma_semaphore, #tpu.memory_space<semaphore_mem>>)
      %dma_wait3A_135 = arith.constant 0 : i32
      %dma_wait3A_136 = arith.constant 0 : i32
      %dma_wait3A_137 = tpu.memref_slice %arg9[%dma_wait3A_135, %dma_wait3A_136] : memref<128x64xf32, #tpu.memory_space<vmem>> -> memref<128x64xf32, #tpu.memory_space<vmem>>
      %dma_wait3A_138 = arith.constant 0 : i32
      %dma_wait3A_139 = tpu.memref_slice %arg11[%add3A_14, %dma_wait3A_138] : memref<10016x64xf32, #tpu.memory_space<vmem_shared>> -> memref<128x64xf32, #tpu.memory_space<vmem_shared>>
      %dma_wait3A_140 = arith.constant 0 : i32
      %dma_wait3A_141 = tpu.memref_slice %arg11[%add3A_14, %dma_wait3A_140] : memref<10016x64xf32, #tpu.memory_space<vmem_shared>> -> memref<128x64xf32, #tpu.memory_space<vmem_shared>>
      %dma_wait3A_142 = arith.constant 0 : i32
      %dma_wait3A_143 = arith.constant 0 : i32
      %dma_wait3A_144 = tpu.memref_slice %arg9[%dma_wait3A_142, %dma_wait3A_143] : memref<128x64xf32, #tpu.memory_space<vmem>> -> memref<128x64xf32, #tpu.memory_space<vmem>>
      tpu.wait_dma2 semaphore(%run_scoped3A_124 : memref<!tpu.dma_semaphore, #tpu.memory_space<semaphore_mem>>) src(%dma_wait3A_144 : memref<128x64xf32, #tpu.memory_space<vmem>>) dst(%dma_wait3A_141 : memref<128x64xf32, #tpu.memory_space<vmem_shared>>)
      tpu.yield
    }) : () -> ()
    %mul3A_15 = arith.constant 626 : i32
    %mul3A_16 = arith.muli %arg1, %mul3A_15 : i32
    %add3A_17 = arith.constant 256 : i32
    %add3A_18 = arith.addi %mul3A_16, %add3A_17 : i32
    "tpu.region"() ({
      %run_scoped3A_124 = tpu.sem_alloc : memref<!tpu.dma_semaphore, #tpu.memory_space<semaphore_mem>>
      %dma_start3A_125 = arith.constant 0 : i32
      %dma_start3A_126 = arith.constant 0 : i32
      %dma_start3A_127 = tpu.memref_slice %arg9[%dma_start3A_125, %dma_start3A_126] : memref<128x64xf32, #tpu.memory_space<vmem>> -> memref<128x64xf32, #tpu.memory_space<vmem>>
      %dma_start3A_128 = arith.constant 0 : i32
      %dma_start3A_129 = tpu.memref_slice %arg11[%add3A_18, %dma_start3A_128] : memref<10016x64xf32, #tpu.memory_space<vmem_shared>> -> memref<128x64xf32, #tpu.memory_space<vmem_shared>>
      %dma_start3A_130 = arith.constant 0 : i32
      %dma_start3A_131 = tpu.memref_slice %arg11[%add3A_18, %dma_start3A_130] : memref<10016x64xf32, #tpu.memory_space<vmem_shared>> -> memref<128x64xf32, #tpu.memory_space<vmem_shared>>
      %dma_start3A_132 = arith.constant 0 : i32
      %dma_start3A_133 = arith.constant 0 : i32
      %dma_start3A_134 = tpu.memref_slice %arg9[%dma_start3A_132, %dma_start3A_133] : memref<128x64xf32, #tpu.memory_space<vmem>> -> memref<128x64xf32, #tpu.memory_space<vmem>>
      tpu.enqueue_dma source(%dma_start3A_134 : memref<128x64xf32, #tpu.memory_space<vmem>>) target(%dma_start3A_131 : memref<128x64xf32, #tpu.memory_space<vmem_shared>>) target_semaphore(%run_scoped3A_124 : memref<!tpu.dma_semaphore, #tpu.memory_space<semaphore_mem>>)
      %dma_wait3A_135 = arith.constant 0 : i32
      %dma_wait3A_136 = arith.constant 0 : i32
      %dma_wait3A_137 = tpu.memref_slice %arg9[%dma_wait3A_135, %dma_wait3A_136] : memref<128x64xf32, #tpu.memory_space<vmem>> -> memref<128x64xf32, #tpu.memory_space<vmem>>
      %dma_wait3A_138 = arith.constant 0 : i32
      %dma_wait3A_139 = tpu.memref_slice %arg11[%add3A_18, %dma_wait3A_138] : memref<10016x64xf32, #tpu.memory_space<vmem_shared>> -> memref<128x64xf32, #tpu.memory_space<vmem_shared>>
      %dma_wait3A_140 = arith.constant 0 : i32
      %dma_wait3A_141 = tpu.memref_slice %arg11[%add3A_18, %dma_wait3A_140] : memref<10016x64xf32, #tpu.memory_space<vmem_shared>> -> memref<128x64xf32, #tpu.memory_space<vmem_shared>>
      %dma_wait3A_142 = arith.constant 0 : i32
      %dma_wait3A_143 = arith.constant 0 : i32
      %dma_wait3A_144 = tpu.memref_slice %arg9[%dma_wait3A_142, %dma_wait3A_143] : memref<128x64xf32, #tpu.memory_space<vmem>> -> memref<128x64xf32, #tpu.memory_space<vmem>>
      tpu.wait_dma2 semaphore(%run_scoped3A_124 : memref<!tpu.dma_semaphore, #tpu.memory_space<semaphore_mem>>) src(%dma_wait3A_144 : memref<128x64xf32, #tpu.memory_space<vmem>>) dst(%dma_wait3A_141 : memref<128x64xf32, #tpu.memory_space<vmem_shared>>)
      tpu.yield
    }) : () -> ()
    %mul3A_19 = arith.constant 626 : i32
    %mul3A_20 = arith.muli %arg1, %mul3A_19 : i32
    %add3A_21 = arith.constant 384 : i32
    %add3A_22 = arith.addi %mul3A_20, %add3A_21 : i32
    "tpu.region"() ({
      %run_scoped3A_124 = tpu.sem_alloc : memref<!tpu.dma_semaphore, #tpu.memory_space<semaphore_mem>>
      %dma_start3A_125 = arith.constant 0 : i32
      %dma_start3A_126 = arith.constant 0 : i32
      %dma_start3A_127 = tpu.memref_slice %arg9[%dma_start3A_125, %dma_start3A_126] : memref<128x64xf32, #tpu.memory_space<vmem>> -> memref<128x64xf32, #tpu.memory_space<vmem>>
      %dma_start3A_128 = arith.constant 0 : i32
      %dma_start3A_129 = tpu.memref_slice %arg11[%add3A_22, %dma_start3A_128] : memref<10016x64xf32, #tpu.memory_space<vmem_shared>> -> memref<128x64xf32, #tpu.memory_space<vmem_shared>>
      %dma_start3A_130 = arith.constant 0 : i32
      %dma_start3A_131 = tpu.memref_slice %arg11[%add3A_22, %dma_start3A_130] : memref<10016x64xf32, #tpu.memory_space<vmem_shared>> -> memref<128x64xf32, #tpu.memory_space<vmem_shared>>
      %dma_start3A_132 = arith.constant 0 : i32
      %dma_start3A_133 = arith.constant 0 : i32
      %dma_start3A_134 = tpu.memref_slice %arg9[%dma_start3A_132, %dma_start3A_133] : memref<128x64xf32, #tpu.memory_space<vmem>> -> memref<128x64xf32, #tpu.memory_space<vmem>>
      tpu.enqueue_dma source(%dma_start3A_134 : memref<128x64xf32, #tpu.memory_space<vmem>>) target(%dma_start3A_131 : memref<128x64xf32, #tpu.memory_space<vmem_shared>>) target_semaphore(%run_scoped3A_124 : memref<!tpu.dma_semaphore, #tpu.memory_space<semaphore_mem>>)
      %dma_wait3A_135 = arith.constant 0 : i32
      %dma_wait3A_136 = arith.constant 0 : i32
      %dma_wait3A_137 = tpu.memref_slice %arg9[%dma_wait3A_135, %dma_wait3A_136] : memref<128x64xf32, #tpu.memory_space<vmem>> -> memref<128x64xf32, #tpu.memory_space<vmem>>
      %dma_wait3A_138 = arith.constant 0 : i32
      %dma_wait3A_139 = tpu.memref_slice %arg11[%add3A_22, %dma_wait3A_138] : memref<10016x64xf32, #tpu.memory_space<vmem_shared>> -> memref<128x64xf32, #tpu.memory_space<vmem_shared>>
      %dma_wait3A_140 = arith.constant 0 : i32
      %dma_wait3A_141 = tpu.memref_slice %arg11[%add3A_22, %dma_wait3A_140] : memref<10016x64xf32, #tpu.memory_space<vmem_shared>> -> memref<128x64xf32, #tpu.memory_space<vmem_shared>>
      %dma_wait3A_142 = arith.constant 0 : i32
      %dma_wait3A_143 = arith.constant 0 : i32
      %dma_wait3A_144 = tpu.memref_slice %arg9[%dma_wait3A_142, %dma_wait3A_143] : memref<128x64xf32, #tpu.memory_space<vmem>> -> memref<128x64xf32, #tpu.memory_space<vmem>>
      tpu.wait_dma2 semaphore(%run_scoped3A_124 : memref<!tpu.dma_semaphore, #tpu.memory_space<semaphore_mem>>) src(%dma_wait3A_144 : memref<128x64xf32, #tpu.memory_space<vmem>>) dst(%dma_wait3A_141 : memref<128x64xf32, #tpu.memory_space<vmem_shared>>)
      tpu.yield
    }) : () -> ()
    %mul3A_23 = arith.constant 626 : i32
    %mul3A_24 = arith.muli %arg1, %mul3A_23 : i32
    %add3A_25 = arith.constant 512 : i32
    %add3A_26 = arith.addi %mul3A_24, %add3A_25 : i32
    "tpu.region"() ({
      %run_scoped3A_124 = tpu.sem_alloc : memref<!tpu.dma_semaphore, #tpu.memory_space<semaphore_mem>>
      %dma_start3A_125 = arith.constant 0 : i32
      %dma_start3A_126 = arith.constant 0 : i32
      %dma_start3A_127 = tpu.memref_slice %arg9[%dma_start3A_125, %dma_start3A_126] : memref<128x64xf32, #tpu.memory_space<vmem>> -> memref<114x64xf32, #tpu.memory_space<vmem>>
      %dma_start3A_128 = arith.constant 0 : i32
      %dma_start3A_129 = tpu.memref_slice %arg11[%add3A_26, %dma_start3A_128] : memref<10016x64xf32, #tpu.memory_space<vmem_shared>> -> memref<114x64xf32, #tpu.memory_space<vmem_shared>>
      %dma_start3A_130 = arith.constant 0 : i32
      %dma_start3A_131 = tpu.memref_slice %arg11[%add3A_26, %dma_start3A_130] : memref<10016x64xf32, #tpu.memory_space<vmem_shared>> -> memref<114x64xf32, #tpu.memory_space<vmem_shared>>
      %dma_start3A_132 = arith.constant 0 : i32
      %dma_start3A_133 = arith.constant 0 : i32
      %dma_start3A_134 = tpu.memref_slice %arg9[%dma_start3A_132, %dma_start3A_133] : memref<128x64xf32, #tpu.memory_space<vmem>> -> memref<114x64xf32, #tpu.memory_space<vmem>>
      tpu.enqueue_dma source(%dma_start3A_134 : memref<114x64xf32, #tpu.memory_space<vmem>>) target(%dma_start3A_131 : memref<114x64xf32, #tpu.memory_space<vmem_shared>>) target_semaphore(%run_scoped3A_124 : memref<!tpu.dma_semaphore, #tpu.memory_space<semaphore_mem>>)
      %dma_wait3A_135 = arith.constant 0 : i32
      %dma_wait3A_136 = arith.constant 0 : i32
      %dma_wait3A_137 = tpu.memref_slice %arg9[%dma_wait3A_135, %dma_wait3A_136] : memref<128x64xf32, #tpu.memory_space<vmem>> -> memref<114x64xf32, #tpu.memory_space<vmem>>
      %dma_wait3A_138 = arith.constant 0 : i32
      %dma_wait3A_139 = tpu.memref_slice %arg11[%add3A_26, %dma_wait3A_138] : memref<10016x64xf32, #tpu.memory_space<vmem_shared>> -> memref<114x64xf32, #tpu.memory_space<vmem_shared>>
      %dma_wait3A_140 = arith.constant 0 : i32
      %dma_wait3A_141 = tpu.memref_slice %arg11[%add3A_26, %dma_wait3A_140] : memref<10016x64xf32, #tpu.memory_space<vmem_shared>> -> memref<114x64xf32, #tpu.memory_space<vmem_shared>>
      %dma_wait3A_142 = arith.constant 0 : i32
      %dma_wait3A_143 = arith.constant 0 : i32
      %dma_wait3A_144 = tpu.memref_slice %arg9[%dma_wait3A_142, %dma_wait3A_143] : memref<128x64xf32, #tpu.memory_space<vmem>> -> memref<114x64xf32, #tpu.memory_space<vmem>>
      tpu.wait_dma2 semaphore(%run_scoped3A_124 : memref<!tpu.dma_semaphore, #tpu.memory_space<semaphore_mem>>) src(%dma_wait3A_144 : memref<114x64xf32, #tpu.memory_space<vmem>>) dst(%dma_wait3A_141 : memref<114x64xf32, #tpu.memory_space<vmem_shared>>)
      tpu.yield
    }) : () -> ()
    %scan3A_27 = arith.constant 0 : i32
    %scan3A_28 = arith.constant 128 : i32
    %scan3A_29 = arith.addi %scan3A_27, %scan3A_28 : i32
    %scan3A_30 = arith.constant 1 : i32
    scf.for %scan3A_124 = %scan3A_27 to %scan3A_29 step %scan3A_30  : i32 {
      %swap3A = arith.index_cast %scan3A_124 : i32 to index
      %swap3A_125 = arith.constant 0 : index
      %swap3A_126 = tpu.vector_load %arg14[%swap3A, %swap3A_125] {strides = array<i32>} : memref<128x16xf32, #tpu.memory_space<vmem>>, vector<1x16xf32>,
      %swap3A_127 = vector.shape_cast %swap3A_126 : vector<1x16xf32> to vector<16xf32>
      %swap3A_128 = vector.shape_cast %broadcast_in_dim3A_3 : vector<16xf32> to vector<1x16xf32>
      tpu.vector_store %arg14[%swap3A, %swap3A_125], %swap3A_128 {strides = array<i32>} : memref<128x16xf32, #tpu.memory_space<vmem>>, vector<1x16xf32>,
    }
    %scan3A_31 = arith.constant 128 : i32
    %mul3A_32 = arith.constant 626 : i32
    %mul3A_33 = arith.muli %arg1, %mul3A_32 : i32
    %add3A_34 = arith.constant 0 : i32
    %add3A_35 = arith.addi %mul3A_33, %add3A_34 : i32
    "tpu.region"() ({
      %run_scoped3A_124 = tpu.sem_alloc : memref<!tpu.dma_semaphore, #tpu.memory_space<semaphore_mem>>
      %dma_start3A_125 = arith.constant 0 : i32
      %dma_start3A_126 = arith.constant 0 : i32
      %dma_start3A_127 = tpu.memref_slice %arg14[%dma_start3A_125, %dma_start3A_126] : memref<128x16xf32, #tpu.memory_space<vmem>> -> memref<128x16xf32, #tpu.memory_space<vmem>>
      %dma_start3A_128 = arith.constant 0 : i32
      %dma_start3A_129 = tpu.memref_slice %arg15[%add3A_35, %dma_start3A_128] : memref<10016x16xf32, #tpu.memory_space<vmem_shared>> -> memref<128x16xf32, #tpu.memory_space<vmem_shared>>
      %dma_start3A_130 = arith.constant 0 : i32
      %dma_start3A_131 = tpu.memref_slice %arg15[%add3A_35, %dma_start3A_130] : memref<10016x16xf32, #tpu.memory_space<vmem_shared>> -> memref<128x16xf32, #tpu.memory_space<vmem_shared>>
      %dma_start3A_132 = arith.constant 0 : i32
      %dma_start3A_133 = arith.constant 0 : i32
      %dma_start3A_134 = tpu.memref_slice %arg14[%dma_start3A_132, %dma_start3A_133] : memref<128x16xf32, #tpu.memory_space<vmem>> -> memref<128x16xf32, #tpu.memory_space<vmem>>
      tpu.enqueue_dma source(%dma_start3A_134 : memref<128x16xf32, #tpu.memory_space<vmem>>) target(%dma_start3A_131 : memref<128x16xf32, #tpu.memory_space<vmem_shared>>) target_semaphore(%run_scoped3A_124 : memref<!tpu.dma_semaphore, #tpu.memory_space<semaphore_mem>>)
      %dma_wait3A_135 = arith.constant 0 : i32
      %dma_wait3A_136 = arith.constant 0 : i32
      %dma_wait3A_137 = tpu.memref_slice %arg14[%dma_wait3A_135, %dma_wait3A_136] : memref<128x16xf32, #tpu.memory_space<vmem>> -> memref<128x16xf32, #tpu.memory_space<vmem>>
      %dma_wait3A_138 = arith.constant 0 : i32
      %dma_wait3A_139 = tpu.memref_slice %arg15[%add3A_35, %dma_wait3A_138] : memref<10016x16xf32, #tpu.memory_space<vmem_shared>> -> memref<128x16xf32, #tpu.memory_space<vmem_shared>>
      %dma_wait3A_140 = arith.constant 0 : i32
      %dma_wait3A_141 = tpu.memref_slice %arg15[%add3A_35, %dma_wait3A_140] : memref<10016x16xf32, #tpu.memory_space<vmem_shared>> -> memref<128x16xf32, #tpu.memory_space<vmem_shared>>
      %dma_wait3A_142 = arith.constant 0 : i32
      %dma_wait3A_143 = arith.constant 0 : i32
      %dma_wait3A_144 = tpu.memref_slice %arg14[%dma_wait3A_142, %dma_wait3A_143] : memref<128x16xf32, #tpu.memory_space<vmem>> -> memref<128x16xf32, #tpu.memory_space<vmem>>
      tpu.wait_dma2 semaphore(%run_scoped3A_124 : memref<!tpu.dma_semaphore, #tpu.memory_space<semaphore_mem>>) src(%dma_wait3A_144 : memref<128x16xf32, #tpu.memory_space<vmem>>) dst(%dma_wait3A_141 : memref<128x16xf32, #tpu.memory_space<vmem_shared>>)
      tpu.yield
    }) : () -> ()
    %mul3A_36 = arith.constant 626 : i32
    %mul3A_37 = arith.muli %arg1, %mul3A_36 : i32
    %add3A_38 = arith.constant 128 : i32
    %add3A_39 = arith.addi %mul3A_37, %add3A_38 : i32
    "tpu.region"() ({
      %run_scoped3A_124 = tpu.sem_alloc : memref<!tpu.dma_semaphore, #tpu.memory_space<semaphore_mem>>
      %dma_start3A_125 = arith.constant 0 : i32
      %dma_start3A_126 = arith.constant 0 : i32
      %dma_start3A_127 = tpu.memref_slice %arg14[%dma_start3A_125, %dma_start3A_126] : memref<128x16xf32, #tpu.memory_space<vmem>> -> memref<128x16xf32, #tpu.memory_space<vmem>>
      %dma_start3A_128 = arith.constant 0 : i32
      %dma_start3A_129 = tpu.memref_slice %arg15[%add3A_39, %dma_start3A_128] : memref<10016x16xf32, #tpu.memory_space<vmem_shared>> -> memref<128x16xf32, #tpu.memory_space<vmem_shared>>
      %dma_start3A_130 = arith.constant 0 : i32
      %dma_start3A_131 = tpu.memref_slice %arg15[%add3A_39, %dma_start3A_130] : memref<10016x16xf32, #tpu.memory_space<vmem_shared>> -> memref<128x16xf32, #tpu.memory_space<vmem_shared>>
      %dma_start3A_132 = arith.constant 0 : i32
      %dma_start3A_133 = arith.constant 0 : i32
      %dma_start3A_134 = tpu.memref_slice %arg14[%dma_start3A_132, %dma_start3A_133] : memref<128x16xf32, #tpu.memory_space<vmem>> -> memref<128x16xf32, #tpu.memory_space<vmem>>
      tpu.enqueue_dma source(%dma_start3A_134 : memref<128x16xf32, #tpu.memory_space<vmem>>) target(%dma_start3A_131 : memref<128x16xf32, #tpu.memory_space<vmem_shared>>) target_semaphore(%run_scoped3A_124 : memref<!tpu.dma_semaphore, #tpu.memory_space<semaphore_mem>>)
      %dma_wait3A_135 = arith.constant 0 : i32
      %dma_wait3A_136 = arith.constant 0 : i32
      %dma_wait3A_137 = tpu.memref_slice %arg14[%dma_wait3A_135, %dma_wait3A_136] : memref<128x16xf32, #tpu.memory_space<vmem>> -> memref<128x16xf32, #tpu.memory_space<vmem>>
      %dma_wait3A_138 = arith.constant 0 : i32
      %dma_wait3A_139 = tpu.memref_slice %arg15[%add3A_39, %dma_wait3A_138] : memref<10016x16xf32, #tpu.memory_space<vmem_shared>> -> memref<128x16xf32, #tpu.memory_space<vmem_shared>>
      %dma_wait3A_140 = arith.constant 0 : i32
      %dma_wait3A_141 = tpu.memref_slice %arg15[%add3A_39, %dma_wait3A_140] : memref<10016x16xf32, #tpu.memory_space<vmem_shared>> -> memref<128x16xf32, #tpu.memory_space<vmem_shared>>
      %dma_wait3A_142 = arith.constant 0 : i32
      %dma_wait3A_143 = arith.constant 0 : i32
      %dma_wait3A_144 = tpu.memref_slice %arg14[%dma_wait3A_142, %dma_wait3A_143] : memref<128x16xf32, #tpu.memory_space<vmem>> -> memref<128x16xf32, #tpu.memory_space<vmem>>
      tpu.wait_dma2 semaphore(%run_scoped3A_124 : memref<!tpu.dma_semaphore, #tpu.memory_space<semaphore_mem>>) src(%dma_wait3A_144 : memref<128x16xf32, #tpu.memory_space<vmem>>) dst(%dma_wait3A_141 : memref<128x16xf32, #tpu.memory_space<vmem_shared>>)
      tpu.yield
    }) : () -> ()
    %mul3A_40 = arith.constant 626 : i32
    %mul3A_41 = arith.muli %arg1, %mul3A_40 : i32
    %add3A_42 = arith.constant 256 : i32
    %add3A_43 = arith.addi %mul3A_41, %add3A_42 : i32
    "tpu.region"() ({
      %run_scoped3A_124 = tpu.sem_alloc : memref<!tpu.dma_semaphore, #tpu.memory_space<semaphore_mem>>
      %dma_start3A_125 = arith.constant 0 : i32
      %dma_start3A_126 = arith.constant 0 : i32
      %dma_start3A_127 = tpu.memref_slice %arg14[%dma_start3A_125, %dma_start3A_126] : memref<128x16xf32, #tpu.memory_space<vmem>> -> memref<128x16xf32, #tpu.memory_space<vmem>>
      %dma_start3A_128 = arith.constant 0 : i32
      %dma_start3A_129 = tpu.memref_slice %arg15[%add3A_43, %dma_start3A_128] : memref<10016x16xf32, #tpu.memory_space<vmem_shared>> -> memref<128x16xf32, #tpu.memory_space<vmem_shared>>
      %dma_start3A_130 = arith.constant 0 : i32
      %dma_start3A_131 = tpu.memref_slice %arg15[%add3A_43, %dma_start3A_130] : memref<10016x16xf32, #tpu.memory_space<vmem_shared>> -> memref<128x16xf32, #tpu.memory_space<vmem_shared>>
      %dma_start3A_132 = arith.constant 0 : i32
      %dma_start3A_133 = arith.constant 0 : i32
      %dma_start3A_134 = tpu.memref_slice %arg14[%dma_start3A_132, %dma_start3A_133] : memref<128x16xf32, #tpu.memory_space<vmem>> -> memref<128x16xf32, #tpu.memory_space<vmem>>
      tpu.enqueue_dma source(%dma_start3A_134 : memref<128x16xf32, #tpu.memory_space<vmem>>) target(%dma_start3A_131 : memref<128x16xf32, #tpu.memory_space<vmem_shared>>) target_semaphore(%run_scoped3A_124 : memref<!tpu.dma_semaphore, #tpu.memory_space<semaphore_mem>>)
      %dma_wait3A_135 = arith.constant 0 : i32
      %dma_wait3A_136 = arith.constant 0 : i32
      %dma_wait3A_137 = tpu.memref_slice %arg14[%dma_wait3A_135, %dma_wait3A_136] : memref<128x16xf32, #tpu.memory_space<vmem>> -> memref<128x16xf32, #tpu.memory_space<vmem>>
      %dma_wait3A_138 = arith.constant 0 : i32
      %dma_wait3A_139 = tpu.memref_slice %arg15[%add3A_43, %dma_wait3A_138] : memref<10016x16xf32, #tpu.memory_space<vmem_shared>> -> memref<128x16xf32, #tpu.memory_space<vmem_shared>>
      %dma_wait3A_140 = arith.constant 0 : i32
      %dma_wait3A_141 = tpu.memref_slice %arg15[%add3A_43, %dma_wait3A_140] : memref<10016x16xf32, #tpu.memory_space<vmem_shared>> -> memref<128x16xf32, #tpu.memory_space<vmem_shared>>
      %dma_wait3A_142 = arith.constant 0 : i32
      %dma_wait3A_143 = arith.constant 0 : i32
      %dma_wait3A_144 = tpu.memref_slice %arg14[%dma_wait3A_142, %dma_wait3A_143] : memref<128x16xf32, #tpu.memory_space<vmem>> -> memref<128x16xf32, #tpu.memory_space<vmem>>
      tpu.wait_dma2 semaphore(%run_scoped3A_124 : memref<!tpu.dma_semaphore, #tpu.memory_space<semaphore_mem>>) src(%dma_wait3A_144 : memref<128x16xf32, #tpu.memory_space<vmem>>) dst(%dma_wait3A_141 : memref<128x16xf32, #tpu.memory_space<vmem_shared>>)
      tpu.yield
    }) : () -> ()
    %mul3A_44 = arith.constant 626 : i32
    %mul3A_45 = arith.muli %arg1, %mul3A_44 : i32
    %add3A_46 = arith.constant 384 : i32
    %add3A_47 = arith.addi %mul3A_45, %add3A_46 : i32
    "tpu.region"() ({
      %run_scoped3A_124 = tpu.sem_alloc : memref<!tpu.dma_semaphore, #tpu.memory_space<semaphore_mem>>
      %dma_start3A_125 = arith.constant 0 : i32
      %dma_start3A_126 = arith.constant 0 : i32
      %dma_start3A_127 = tpu.memref_slice %arg14[%dma_start3A_125, %dma_start3A_126] : memref<128x16xf32, #tpu.memory_space<vmem>> -> memref<128x16xf32, #tpu.memory_space<vmem>>
      %dma_start3A_128 = arith.constant 0 : i32
      %dma_start3A_129 = tpu.memref_slice %arg15[%add3A_47, %dma_start3A_128] : memref<10016x16xf32, #tpu.memory_space<vmem_shared>> -> memref<128x16xf32, #tpu.memory_space<vmem_shared>>
      %dma_start3A_130 = arith.constant 0 : i32
      %dma_start3A_131 = tpu.memref_slice %arg15[%add3A_47, %dma_start3A_130] : memref<10016x16xf32, #tpu.memory_space<vmem_shared>> -> memref<128x16xf32, #tpu.memory_space<vmem_shared>>
      %dma_start3A_132 = arith.constant 0 : i32
      %dma_start3A_133 = arith.constant 0 : i32
      %dma_start3A_134 = tpu.memref_slice %arg14[%dma_start3A_132, %dma_start3A_133] : memref<128x16xf32, #tpu.memory_space<vmem>> -> memref<128x16xf32, #tpu.memory_space<vmem>>
      tpu.enqueue_dma source(%dma_start3A_134 : memref<128x16xf32, #tpu.memory_space<vmem>>) target(%dma_start3A_131 : memref<128x16xf32, #tpu.memory_space<vmem_shared>>) target_semaphore(%run_scoped3A_124 : memref<!tpu.dma_semaphore, #tpu.memory_space<semaphore_mem>>)
      %dma_wait3A_135 = arith.constant 0 : i32
      %dma_wait3A_136 = arith.constant 0 : i32
      %dma_wait3A_137 = tpu.memref_slice %arg14[%dma_wait3A_135, %dma_wait3A_136] : memref<128x16xf32, #tpu.memory_space<vmem>> -> memref<128x16xf32, #tpu.memory_space<vmem>>
      %dma_wait3A_138 = arith.constant 0 : i32
      %dma_wait3A_139 = tpu.memref_slice %arg15[%add3A_47, %dma_wait3A_138] : memref<10016x16xf32, #tpu.memory_space<vmem_shared>> -> memref<128x16xf32, #tpu.memory_space<vmem_shared>>
      %dma_wait3A_140 = arith.constant 0 : i32
      %dma_wait3A_141 = tpu.memref_slice %arg15[%add3A_47, %dma_wait3A_140] : memref<10016x16xf32, #tpu.memory_space<vmem_shared>> -> memref<128x16xf32, #tpu.memory_space<vmem_shared>>
      %dma_wait3A_142 = arith.constant 0 : i32
      %dma_wait3A_143 = arith.constant 0 : i32
      %dma_wait3A_144 = tpu.memref_slice %arg14[%dma_wait3A_142, %dma_wait3A_143] : memref<128x16xf32, #tpu.memory_space<vmem>> -> memref<128x16xf32, #tpu.memory_space<vmem>>
      tpu.wait_dma2 semaphore(%run_scoped3A_124 : memref<!tpu.dma_semaphore, #tpu.memory_space<semaphore_mem>>) src(%dma_wait3A_144 : memref<128x16xf32, #tpu.memory_space<vmem>>) dst(%dma_wait3A_141 : memref<128x16xf32, #tpu.memory_space<vmem_shared>>)
      tpu.yield
    }) : () -> ()
    %mul3A_48 = arith.constant 626 : i32
    %mul3A_49 = arith.muli %arg1, %mul3A_48 : i32
    %add3A_50 = arith.constant 512 : i32
    %add3A_51 = arith.addi %mul3A_49, %add3A_50 : i32
    "tpu.region"() ({
      %run_scoped3A_124 = tpu.sem_alloc : memref<!tpu.dma_semaphore, #tpu.memory_space<semaphore_mem>>
      %dma_start3A_125 = arith.constant 0 : i32
      %dma_start3A_126 = arith.constant 0 : i32
      %dma_start3A_127 = tpu.memref_slice %arg14[%dma_start3A_125, %dma_start3A_126] : memref<128x16xf32, #tpu.memory_space<vmem>> -> memref<114x16xf32, #tpu.memory_space<vmem>>
      %dma_start3A_128 = arith.constant 0 : i32
      %dma_start3A_129 = tpu.memref_slice %arg15[%add3A_51, %dma_start3A_128] : memref<10016x16xf32, #tpu.memory_space<vmem_shared>> -> memref<114x16xf32, #tpu.memory_space<vmem_shared>>
      %dma_start3A_130 = arith.constant 0 : i32
      %dma_start3A_131 = tpu.memref_slice %arg15[%add3A_51, %dma_start3A_130] : memref<10016x16xf32, #tpu.memory_space<vmem_shared>> -> memref<114x16xf32, #tpu.memory_space<vmem_shared>>
      %dma_start3A_132 = arith.constant 0 : i32
      %dma_start3A_133 = arith.constant 0 : i32
      %dma_start3A_134 = tpu.memref_slice %arg14[%dma_start3A_132, %dma_start3A_133] : memref<128x16xf32, #tpu.memory_space<vmem>> -> memref<114x16xf32, #tpu.memory_space<vmem>>
      tpu.enqueue_dma source(%dma_start3A_134 : memref<114x16xf32, #tpu.memory_space<vmem>>) target(%dma_start3A_131 : memref<114x16xf32, #tpu.memory_space<vmem_shared>>) target_semaphore(%run_scoped3A_124 : memref<!tpu.dma_semaphore, #tpu.memory_space<semaphore_mem>>)
      %dma_wait3A_135 = arith.constant 0 : i32
      %dma_wait3A_136 = arith.constant 0 : i32
      %dma_wait3A_137 = tpu.memref_slice %arg14[%dma_wait3A_135, %dma_wait3A_136] : memref<128x16xf32, #tpu.memory_space<vmem>> -> memref<114x16xf32, #tpu.memory_space<vmem>>
      %dma_wait3A_138 = arith.constant 0 : i32
      %dma_wait3A_139 = tpu.memref_slice %arg15[%add3A_51, %dma_wait3A_138] : memref<10016x16xf32, #tpu.memory_space<vmem_shared>> -> memref<114x16xf32, #tpu.memory_space<vmem_shared>>
      %dma_wait3A_140 = arith.constant 0 : i32
      %dma_wait3A_141 = tpu.memref_slice %arg15[%add3A_51, %dma_wait3A_140] : memref<10016x16xf32, #tpu.memory_space<vmem_shared>> -> memref<114x16xf32, #tpu.memory_space<vmem_shared>>
      %dma_wait3A_142 = arith.constant 0 : i32
      %dma_wait3A_143 = arith.constant 0 : i32
      %dma_wait3A_144 = tpu.memref_slice %arg14[%dma_wait3A_142, %dma_wait3A_143] : memref<128x16xf32, #tpu.memory_space<vmem>> -> memref<114x16xf32, #tpu.memory_space<vmem>>
      tpu.wait_dma2 semaphore(%run_scoped3A_124 : memref<!tpu.dma_semaphore, #tpu.memory_space<semaphore_mem>>) src(%dma_wait3A_144 : memref<114x16xf32, #tpu.memory_space<vmem>>) dst(%dma_wait3A_141 : memref<114x16xf32, #tpu.memory_space<vmem_shared>>)
      tpu.yield
    }) : () -> ()
    %add3A_52 = arith.constant 1.000000e+00 : f32
    %add3A_53 = vector.broadcast %add3A_52 : f32 to vector<16xf32>
    %add3A_54 = arith.addf %broadcast_in_dim3A_3, %add3A_53 : vector<16xf32>
    %scan3A_55 = arith.constant 0 : i32
    %scan3A_56 = arith.constant 128 : i32
    %scan3A_57 = arith.addi %scan3A_55, %scan3A_56 : i32
    %scan3A_58 = arith.constant 1 : i32
    scf.for %scan3A_124 = %scan3A_55 to %scan3A_57 step %scan3A_58  : i32 {
      %swap3A = arith.index_cast %scan3A_124 : i32 to index
      %swap3A_125 = arith.constant 0 : index
      %swap3A_126 = tpu.vector_load %arg14[%swap3A, %swap3A_125] {strides = array<i32>} : memref<128x16xf32, #tpu.memory_space<vmem>>, vector<1x16xf32>,
      %swap3A_127 = vector.shape_cast %swap3A_126 : vector<1x16xf32> to vector<16xf32>
      %swap3A_128 = vector.shape_cast %add3A_54 : vector<16xf32> to vector<1x16xf32>
      tpu.vector_store %arg14[%swap3A, %swap3A_125], %swap3A_128 {strides = array<i32>} : memref<128x16xf32, #tpu.memory_space<vmem>>, vector<1x16xf32>,
    }
    %scan3A_59 = arith.constant 128 : i32
    %barrier3A = arith.constant 0 : index
    tpu.barrier barrier_id(%barrier3A)
    %dma_start3A = arith.constant 0 : i32
    %dma_start3A_60 = arith.constant 0 : i32
    %dma_start3A_61 = tpu.memref_slice %arg7[%dma_start3A, %dma_start3A_60] : memref<158x128xi32, #tpu.memory_space<vmem>> -> memref<1x128xi32, #tpu.memory_space<vmem>>
    %dma_start3A_62 = tpu.memref_squeeze %dma_start3A_61 : memref<1x128xi32, #tpu.memory_space<vmem>> -> memref<128xi32, #tpu.memory_space<vmem>>
    %dma_start3A_63 = arith.constant 0 : i32
    %dma_start3A_64 = arith.constant 0 : i32
    %dma_start3A_65 = tpu.memref_slice %arg2[%arg0, %dma_start3A_63, %dma_start3A_64] : memref<2x10000x64xf32, #tpu.memory_space<hbm>> -> memref<1x10000x64xf32, #tpu.memory_space<hbm>>
    %dma_start3A_66 = tpu.memref_squeeze %dma_start3A_65 : memref<1x10000x64xf32, #tpu.memory_space<hbm>> -> memref<10000x64xf32, #tpu.memory_space<hbm>>
    %dma_start3A_67 = arith.constant 0 : i32
    %dma_start3A_68 = arith.constant 0 : i32
    %dma_start3A_69 = tpu.memref_slice %dma_start3A_66[%dma_start3A_67, %dma_start3A_68] : memref<10000x64xf32, #tpu.memory_space<hbm>> -> memref<10000x64xf32, #tpu.memory_space<hbm>>
    tpu.enqueue_indirect_dma source(%dma_start3A_69 : memref<10000x64xf32, #tpu.memory_space<hbm>>) target(%arg9 : memref<128x64xf32, #tpu.memory_space<vmem>>) offsets(%dma_start3A_62 : memref<128xi32, #tpu.memory_space<vmem>>) semaphore(%arg12 : memref<!tpu.dma_semaphore, #tpu.memory_space<semaphore_mem>>)
    %dma_start3A_70 = arith.constant 1 : i32
    %dma_start3A_71 = arith.constant 0 : i32
    %dma_start3A_72 = tpu.memref_slice %arg7[%dma_start3A_70, %dma_start3A_71] : memref<158x128xi32, #tpu.memory_space<vmem>> -> memref<1x128xi32, #tpu.memory_space<vmem>>
    %dma_start3A_73 = tpu.memref_squeeze %dma_start3A_72 : memref<1x128xi32, #tpu.memory_space<vmem>> -> memref<128xi32, #tpu.memory_space<vmem>>
    %dma_start3A_74 = arith.constant 0 : i32
    %dma_start3A_75 = arith.constant 0 : i32
    %dma_start3A_76 = tpu.memref_slice %arg2[%arg0, %dma_start3A_74, %dma_start3A_75] : memref<2x10000x64xf32, #tpu.memory_space<hbm>> -> memref<1x10000x64xf32, #tpu.memory_space<hbm>>
    %dma_start3A_77 = tpu.memref_squeeze %dma_start3A_76 : memref<1x10000x64xf32, #tpu.memory_space<hbm>> -> memref<10000x64xf32, #tpu.memory_space<hbm>>
    %dma_start3A_78 = arith.constant 0 : i32
    %dma_start3A_79 = arith.constant 0 : i32
    %dma_start3A_80 = tpu.memref_slice %dma_start3A_77[%dma_start3A_78, %dma_start3A_79] : memref<10000x64xf32, #tpu.memory_space<hbm>> -> memref<10000x64xf32, #tpu.memory_space<hbm>>
    tpu.enqueue_indirect_dma source(%dma_start3A_80 : memref<10000x64xf32, #tpu.memory_space<hbm>>) target(%arg10 : memref<128x64xf32, #tpu.memory_space<vmem>>) offsets(%dma_start3A_73 : memref<128xi32, #tpu.memory_space<vmem>>) semaphore(%arg13 : memref<!tpu.dma_semaphore, #tpu.memory_space<semaphore_mem>>)
    %scan3A_81 = arith.constant 0 : i32
    %scan3A_82 = arith.constant 78 : i32
    %scan3A_83 = arith.addi %scan3A_81, %scan3A_82 : i32
    %scan3A_84 = arith.constant 1 : i32
    scf.for %scan3A_124 = %scan3A_81 to %scan3A_83 step %scan3A_84  : i32 {
      %mul3A_125 = arith.constant 2 : i32
      %mul3A_126 = arith.muli %mul3A_125, %scan3A_124 : i32
      %add3A_127 = arith.constant 0 : i32
      %add3A_128 = arith.addi %mul3A_126, %add3A_127 : i32
      %dma_wait3A_129 = arith.constant 0 : i32
      %dma_wait3A_130 = tpu.memref_slice %arg7[%add3A_128, %dma_wait3A_129] : memref<158x128xi32, #tpu.memory_space<vmem>> -> memref<1x128xi32, #tpu.memory_space<vmem>>
      %dma_wait3A_131 = tpu.memref_squeeze %dma_wait3A_130 : memref<1x128xi32, #tpu.memory_space<vmem>> -> memref<128xi32, #tpu.memory_space<vmem>>
      %dma_wait3A_132 = arith.constant 0 : i32
      %dma_wait3A_133 = arith.constant 0 : i32
      %dma_wait3A_134 = tpu.memref_slice %arg2[%arg0, %dma_wait3A_132, %dma_wait3A_133] : memref<2x10000x64xf32, #tpu.memory_space<hbm>> -> memref<1x10000x64xf32, #tpu.memory_space<hbm>>
      %dma_wait3A_135 = tpu.memref_squeeze %dma_wait3A_134 : memref<1x10000x64xf32, #tpu.memory_space<hbm>> -> memref<10000x64xf32, #tpu.memory_space<hbm>>
      %dma_wait3A_136 = arith.constant 0 : i32
      %dma_wait3A_137 = arith.constant 0 : i32
      %dma_wait3A_138 = tpu.memref_slice %dma_wait3A_135[%dma_wait3A_136, %dma_wait3A_137] : memref<10000x64xf32, #tpu.memory_space<hbm>> -> memref<10000x64xf32, #tpu.memory_space<hbm>>
      tpu.wait_indirect_dma semaphore(%arg12 : memref<!tpu.dma_semaphore, #tpu.memory_space<semaphore_mem>>) src(%dma_wait3A_138 : memref<10000x64xf32, #tpu.memory_space<hbm>>) dst(%arg9 : memref<128x64xf32, #tpu.memory_space<vmem>>)
      %add3A_139 = arith.constant 0 : i32
      %add3A_140 = arith.addi %mul3A_126, %add3A_139 : i32
      "tpu.region"() ({
        %run_scoped3A_193 = tpu.sem_alloc : memref<!tpu.dma_semaphore, #tpu.memory_space<semaphore_mem>>
        %dma_start3A_194 = arith.constant 0 : i32
        %dma_start3A_195 = tpu.memref_slice %arg8[%add3A_140, %dma_start3A_194] : memref<158x128xi32, #tpu.memory_space<vmem>> -> memref<1x128xi32, #tpu.memory_space<vmem>>
        %dma_start3A_196 = tpu.memref_squeeze %dma_start3A_195 : memref<1x128xi32, #tpu.memory_space<vmem>> -> memref<128xi32, #tpu.memory_space<vmem>>
        %dma_start3A_197 = arith.constant 0 : i32
        %dma_start3A_198 = arith.constant 0 : i32
        %dma_start3A_199 = tpu.memref_slice %arg11[%dma_start3A_197, %dma_start3A_198] : memref<10016x64xf32, #tpu.memory_space<vmem_shared>> -> memref<10016x64xf32, #tpu.memory_space<vmem_shared>>
        tpu.enqueue_indirect_dma source(%arg9 : memref<128x64xf32, #tpu.memory_space<vmem>>) target(%dma_start3A_199 : memref<10016x64xf32, #tpu.memory_space<vmem_shared>>) offsets(%dma_start3A_196 : memref<128xi32, #tpu.memory_space<vmem>>) semaphore(%run_scoped3A_193 : memref<!tpu.dma_semaphore, #tpu.memory_space<semaphore_mem>>) {add = true}
        %dma_wait3A_200 = arith.constant 0 : i32
        %dma_wait3A_201 = tpu.memref_slice %arg8[%add3A_140, %dma_wait3A_200] : memref<158x128xi32, #tpu.memory_space<vmem>> -> memref<1x128xi32, #tpu.memory_space<vmem>>
        %dma_wait3A_202 = tpu.memref_squeeze %dma_wait3A_201 : memref<1x128xi32, #tpu.memory_space<vmem>> -> memref<128xi32, #tpu.memory_space<vmem>>
        %dma_wait3A_203 = arith.constant 0 : i32
        %dma_wait3A_204 = arith.constant 0 : i32
        %dma_wait3A_205 = tpu.memref_slice %arg11[%dma_wait3A_203, %dma_wait3A_204] : memref<10016x64xf32, #tpu.memory_space<vmem_shared>> -> memref<10016x64xf32, #tpu.memory_space<vmem_shared>>
        tpu.wait_indirect_dma semaphore(%run_scoped3A_193 : memref<!tpu.dma_semaphore, #tpu.memory_space<semaphore_mem>>) src(%arg9 : memref<128x64xf32, #tpu.memory_space<vmem>>) dst(%dma_wait3A_205 : memref<10016x64xf32, #tpu.memory_space<vmem_shared>>)
        tpu.yield
      }) : () -> ()
      %add3A_141 = arith.constant 0 : i32
      %add3A_142 = arith.addi %mul3A_126, %add3A_141 : i32
      %add3A_143 = arith.constant 2 : i32
      %add3A_144 = arith.addi %add3A_142, %add3A_143 : i32
      %dma_start3A_145 = arith.constant 0 : i32
      %dma_start3A_146 = tpu.memref_slice %arg7[%add3A_144, %dma_start3A_145] : memref<158x128xi32, #tpu.memory_space<vmem>> -> memref<1x128xi32, #tpu.memory_space<vmem>>
      %dma_start3A_147 = tpu.memref_squeeze %dma_start3A_146 : memref<1x128xi32, #tpu.memory_space<vmem>> -> memref<128xi32, #tpu.memory_space<vmem>>
      %dma_start3A_148 = arith.constant 0 : i32
      %dma_start3A_149 = arith.constant 0 : i32
      %dma_start3A_150 = tpu.memref_slice %arg2[%arg0, %dma_start3A_148, %dma_start3A_149] : memref<2x10000x64xf32, #tpu.memory_space<hbm>> -> memref<1x10000x64xf32, #tpu.memory_space<hbm>>
      %dma_start3A_151 = tpu.memref_squeeze %dma_start3A_150 : memref<1x10000x64xf32, #tpu.memory_space<hbm>> -> memref<10000x64xf32, #tpu.memory_space<hbm>>
      %dma_start3A_152 = arith.constant 0 : i32
      %dma_start3A_153 = arith.constant 0 : i32
      %dma_start3A_154 = tpu.memref_slice %dma_start3A_151[%dma_start3A_152, %dma_start3A_153] : memref<10000x64xf32, #tpu.memory_space<hbm>> -> memref<10000x64xf32, #tpu.memory_space<hbm>>
      tpu.enqueue_indirect_dma source(%dma_start3A_154 : memref<10000x64xf32, #tpu.memory_space<hbm>>) target(%arg9 : memref<128x64xf32, #tpu.memory_space<vmem>>) offsets(%dma_start3A_147 : memref<128xi32, #tpu.memory_space<vmem>>) semaphore(%arg12 : memref<!tpu.dma_semaphore, #tpu.memory_space<semaphore_mem>>)
      %eq3A_155 = arith.constant 0 : i32
      %eq3A_156 = arith.cmpi eq, %arg0, %eq3A_155 : i32
      %convert_element_type3A_157 = arith.extui %eq3A_156 : i1 to i32
      %cond3A_158 = arith.constant 0 : i32
      %cond3A_159 = arith.cmpi ne, %convert_element_type3A_157, %cond3A_158 : i32
      scf.if %cond3A_159 {
        %add3A_193 = arith.constant 0 : i32
        %add3A_194 = arith.addi %mul3A_126, %add3A_193 : i32
        "tpu.region"() ({
          %run_scoped3A_195 = tpu.sem_alloc : memref<!tpu.dma_semaphore, #tpu.memory_space<semaphore_mem>>
          %dma_start3A_196 = arith.constant 0 : i32
          %dma_start3A_197 = tpu.memref_slice %arg8[%add3A_194, %dma_start3A_196] : memref<158x128xi32, #tpu.memory_space<vmem>> -> memref<1x128xi32, #tpu.memory_space<vmem>>
          %dma_start3A_198 = tpu.memref_squeeze %dma_start3A_197 : memref<1x128xi32, #tpu.memory_space<vmem>> -> memref<128xi32, #tpu.memory_space<vmem>>
          %dma_start3A_199 = arith.constant 0 : i32
          %dma_start3A_200 = arith.constant 0 : i32
          %dma_start3A_201 = tpu.memref_slice %arg15[%dma_start3A_199, %dma_start3A_200] : memref<10016x16xf32, #tpu.memory_space<vmem_shared>> -> memref<10016x16xf32, #tpu.memory_space<vmem_shared>>
          tpu.enqueue_indirect_dma source(%arg14 : memref<128x16xf32, #tpu.memory_space<vmem>>) target(%dma_start3A_201 : memref<10016x16xf32, #tpu.memory_space<vmem_shared>>) offsets(%dma_start3A_198 : memref<128xi32, #tpu.memory_space<vmem>>) semaphore(%run_scoped3A_195 : memref<!tpu.dma_semaphore, #tpu.memory_space<semaphore_mem>>) {add = true}
          %dma_wait3A_202 = arith.constant 0 : i32
          %dma_wait3A_203 = tpu.memref_slice %arg8[%add3A_194, %dma_wait3A_202] : memref<158x128xi32, #tpu.memory_space<vmem>> -> memref<1x128xi32, #tpu.memory_space<vmem>>
          %dma_wait3A_204 = tpu.memref_squeeze %dma_wait3A_203 : memref<1x128xi32, #tpu.memory_space<vmem>> -> memref<128xi32, #tpu.memory_space<vmem>>
          %dma_wait3A_205 = arith.constant 0 : i32
          %dma_wait3A_206 = arith.constant 0 : i32
          %dma_wait3A_207 = tpu.memref_slice %arg15[%dma_wait3A_205, %dma_wait3A_206] : memref<10016x16xf32, #tpu.memory_space<vmem_shared>> -> memref<10016x16xf32, #tpu.memory_space<vmem_shared>>
          tpu.wait_indirect_dma semaphore(%run_scoped3A_195 : memref<!tpu.dma_semaphore, #tpu.memory_space<semaphore_mem>>) src(%arg14 : memref<128x16xf32, #tpu.memory_space<vmem>>) dst(%dma_wait3A_207 : memref<10016x16xf32, #tpu.memory_space<vmem_shared>>)
          tpu.yield
        }) : () -> ()
      } else {
      }
      %add3A_160 = arith.constant 1 : i32
      %add3A_161 = arith.addi %mul3A_126, %add3A_160 : i32
      %dma_wait3A_162 = arith.constant 0 : i32
      %dma_wait3A_163 = tpu.memref_slice %arg7[%add3A_161, %dma_wait3A_162] : memref<158x128xi32, #tpu.memory_space<vmem>> -> memref<1x128xi32, #tpu.memory_space<vmem>>
      %dma_wait3A_164 = tpu.memref_squeeze %dma_wait3A_163 : memref<1x128xi32, #tpu.memory_space<vmem>> -> memref<128xi32, #tpu.memory_space<vmem>>
      %dma_wait3A_165 = arith.constant 0 : i32
      %dma_wait3A_166 = arith.constant 0 : i32
      %dma_wait3A_167 = tpu.memref_slice %arg2[%arg0, %dma_wait3A_165, %dma_wait3A_166] : memref<2x10000x64xf32, #tpu.memory_space<hbm>> -> memref<1x10000x64xf32, #tpu.memory_space<hbm>>
      %dma_wait3A_168 = tpu.memref_squeeze %dma_wait3A_167 : memref<1x10000x64xf32, #tpu.memory_space<hbm>> -> memref<10000x64xf32, #tpu.memory_space<hbm>>
      %dma_wait3A_169 = arith.constant 0 : i32
      %dma_wait3A_170 = arith.constant 0 : i32
      %dma_wait3A_171 = tpu.memref_slice %dma_wait3A_168[%dma_wait3A_169, %dma_wait3A_170] : memref<10000x64xf32, #tpu.memory_space<hbm>> -> memref<10000x64xf32, #tpu.memory_space<hbm>>
      tpu.wait_indirect_dma semaphore(%arg13 : memref<!tpu.dma_semaphore, #tpu.memory_space<semaphore_mem>>) src(%dma_wait3A_171 : memref<10000x64xf32, #tpu.memory_space<hbm>>) dst(%arg10 : memref<128x64xf32, #tpu.memory_space<vmem>>)
      %add3A_172 = arith.constant 1 : i32
      %add3A_173 = arith.addi %mul3A_126, %add3A_172 : i32
      "tpu.region"() ({
        %run_scoped3A_193 = tpu.sem_alloc : memref<!tpu.dma_semaphore, #tpu.memory_space<semaphore_mem>>
        %dma_start3A_194 = arith.constant 0 : i32
        %dma_start3A_195 = tpu.memref_slice %arg8[%add3A_173, %dma_start3A_194] : memref<158x128xi32, #tpu.memory_space<vmem>> -> memref<1x128xi32, #tpu.memory_space<vmem>>
        %dma_start3A_196 = tpu.memref_squeeze %dma_start3A_195 : memref<1x128xi32, #tpu.memory_space<vmem>> -> memref<128xi32, #tpu.memory_space<vmem>>
        %dma_start3A_197 = arith.constant 0 : i32
        %dma_start3A_198 = arith.constant 0 : i32
        %dma_start3A_199 = tpu.memref_slice %arg11[%dma_start3A_197, %dma_start3A_198] : memref<10016x64xf32, #tpu.memory_space<vmem_shared>> -> memref<10016x64xf32, #tpu.memory_space<vmem_shared>>
        tpu.enqueue_indirect_dma source(%arg10 : memref<128x64xf32, #tpu.memory_space<vmem>>) target(%dma_start3A_199 : memref<10016x64xf32, #tpu.memory_space<vmem_shared>>) offsets(%dma_start3A_196 : memref<128xi32, #tpu.memory_space<vmem>>) semaphore(%run_scoped3A_193 : memref<!tpu.dma_semaphore, #tpu.memory_space<semaphore_mem>>) {add = true}
        %dma_wait3A_200 = arith.constant 0 : i32
        %dma_wait3A_201 = tpu.memref_slice %arg8[%add3A_173, %dma_wait3A_200] : memref<158x128xi32, #tpu.memory_space<vmem>> -> memref<1x128xi32, #tpu.memory_space<vmem>>
        %dma_wait3A_202 = tpu.memref_squeeze %dma_wait3A_201 : memref<1x128xi32, #tpu.memory_space<vmem>> -> memref<128xi32, #tpu.memory_space<vmem>>
        %dma_wait3A_203 = arith.constant 0 : i32
        %dma_wait3A_204 = arith.constant 0 : i32
        %dma_wait3A_205 = tpu.memref_slice %arg11[%dma_wait3A_203, %dma_wait3A_204] : memref<10016x64xf32, #tpu.memory_space<vmem_shared>> -> memref<10016x64xf32, #tpu.memory_space<vmem_shared>>
        tpu.wait_indirect_dma semaphore(%run_scoped3A_193 : memref<!tpu.dma_semaphore, #tpu.memory_space<semaphore_mem>>) src(%arg10 : memref<128x64xf32, #tpu.memory_space<vmem>>) dst(%dma_wait3A_205 : memref<10016x64xf32, #tpu.memory_space<vmem_shared>>)
        tpu.yield
      }) : () -> ()
      %add3A_174 = arith.constant 1 : i32
      %add3A_175 = arith.addi %mul3A_126, %add3A_174 : i32
      %add3A_176 = arith.constant 2 : i32
      %add3A_177 = arith.addi %add3A_175, %add3A_176 : i32
      %dma_start3A_178 = arith.constant 0 : i32
      %dma_start3A_179 = tpu.memref_slice %arg7[%add3A_177, %dma_start3A_178] : memref<158x128xi32, #tpu.memory_space<vmem>> -> memref<1x128xi32, #tpu.memory_space<vmem>>
      %dma_start3A_180 = tpu.memref_squeeze %dma_start3A_179 : memref<1x128xi32, #tpu.memory_space<vmem>> -> memref<128xi32, #tpu.memory_space<vmem>>
      %dma_start3A_181 = arith.constant 0 : i32
      %dma_start3A_182 = arith.constant 0 : i32
      %dma_start3A_183 = tpu.memref_slice %arg2[%arg0, %dma_start3A_181, %dma_start3A_182] : memref<2x10000x64xf32, #tpu.memory_space<hbm>> -> memref<1x10000x64xf32, #tpu.memory_space<hbm>>
      %dma_start3A_184 = tpu.memref_squeeze %dma_start3A_183 : memref<1x10000x64xf32, #tpu.memory_space<hbm>> -> memref<10000x64xf32, #tpu.memory_space<hbm>>
      %dma_start3A_185 = arith.constant 0 : i32
      %dma_start3A_186 = arith.constant 0 : i32
      %dma_start3A_187 = tpu.memref_slice %dma_start3A_184[%dma_start3A_185, %dma_start3A_186] : memref<10000x64xf32, #tpu.memory_space<hbm>> -> memref<10000x64xf32, #tpu.memory_space<hbm>>
      tpu.enqueue_indirect_dma source(%dma_start3A_187 : memref<10000x64xf32, #tpu.memory_space<hbm>>) target(%arg10 : memref<128x64xf32, #tpu.memory_space<vmem>>) offsets(%dma_start3A_180 : memref<128xi32, #tpu.memory_space<vmem>>) semaphore(%arg13 : memref<!tpu.dma_semaphore, #tpu.memory_space<semaphore_mem>>)
      %eq3A_188 = arith.constant 1 : i32
      %eq3A_189 = arith.cmpi eq, %arg0, %eq3A_188 : i32
      %convert_element_type3A_190 = arith.extui %eq3A_189 : i1 to i32
      %cond3A_191 = arith.constant 0 : i32
      %cond3A_192 = arith.cmpi ne, %convert_element_type3A_190, %cond3A_191 : i32
      scf.if %cond3A_192 {
        %add3A_193 = arith.constant 1 : i32
        %add3A_194 = arith.addi %mul3A_126, %add3A_193 : i32
        "tpu.region"() ({
          %run_scoped3A_195 = tpu.sem_alloc : memref<!tpu.dma_semaphore, #tpu.memory_space<semaphore_mem>>
          %dma_start3A_196 = arith.constant 0 : i32
          %dma_start3A_197 = tpu.memref_slice %arg8[%add3A_194, %dma_start3A_196] : memref<158x128xi32, #tpu.memory_space<vmem>> -> memref<1x128xi32, #tpu.memory_space<vmem>>
          %dma_start3A_198 = tpu.memref_squeeze %dma_start3A_197 : memref<1x128xi32, #tpu.memory_space<vmem>> -> memref<128xi32, #tpu.memory_space<vmem>>
          %dma_start3A_199 = arith.constant 0 : i32
          %dma_start3A_200 = arith.constant 0 : i32
          %dma_start3A_201 = tpu.memref_slice %arg15[%dma_start3A_199, %dma_start3A_200] : memref<10016x16xf32, #tpu.memory_space<vmem_shared>> -> memref<10016x16xf32, #tpu.memory_space<vmem_shared>>
          tpu.enqueue_indirect_dma source(%arg14 : memref<128x16xf32, #tpu.memory_space<vmem>>) target(%dma_start3A_201 : memref<10016x16xf32, #tpu.memory_space<vmem_shared>>) offsets(%dma_start3A_198 : memref<128xi32, #tpu.memory_space<vmem>>) semaphore(%run_scoped3A_195 : memref<!tpu.dma_semaphore, #tpu.memory_space<semaphore_mem>>) {add = true}
          %dma_wait3A_202 = arith.constant 0 : i32
          %dma_wait3A_203 = tpu.memref_slice %arg8[%add3A_194, %dma_wait3A_202] : memref<158x128xi32, #tpu.memory_space<vmem>> -> memref<1x128xi32, #tpu.memory_space<vmem>>
          %dma_wait3A_204 = tpu.memref_squeeze %dma_wait3A_203 : memref<1x128xi32, #tpu.memory_space<vmem>> -> memref<128xi32, #tpu.memory_space<vmem>>
          %dma_wait3A_205 = arith.constant 0 : i32
          %dma_wait3A_206 = arith.constant 0 : i32
          %dma_wait3A_207 = tpu.memref_slice %arg15[%dma_wait3A_205, %dma_wait3A_206] : memref<10016x16xf32, #tpu.memory_space<vmem_shared>> -> memref<10016x16xf32, #tpu.memory_space<vmem_shared>>
          tpu.wait_indirect_dma semaphore(%run_scoped3A_195 : memref<!tpu.dma_semaphore, #tpu.memory_space<semaphore_mem>>) src(%arg14 : memref<128x16xf32, #tpu.memory_space<vmem>>) dst(%dma_wait3A_207 : memref<10016x16xf32, #tpu.memory_space<vmem_shared>>)
          tpu.yield
        }) : () -> ()
      } else {
      }
    }
    %scan3A_85 = arith.constant 78 : i32
    %dma_wait3A = arith.constant 156 : i32
    %dma_wait3A_86 = arith.constant 0 : i32
    %dma_wait3A_87 = tpu.memref_slice %arg7[%dma_wait3A, %dma_wait3A_86] : memref<158x128xi32, #tpu.memory_space<vmem>> -> memref<1x128xi32, #tpu.memory_space<vmem>>
    %dma_wait3A_88 = tpu.memref_squeeze %dma_wait3A_87 : memref<1x128xi32, #tpu.memory_space<vmem>> -> memref<128xi32, #tpu.memory_space<vmem>>
    %dma_wait3A_89 = arith.constant 0 : i32
    %dma_wait3A_90 = arith.constant 0 : i32
    %dma_wait3A_91 = tpu.memref_slice %arg2[%arg0, %dma_wait3A_89, %dma_wait3A_90] : memref<2x10000x64xf32, #tpu.memory_space<hbm>> -> memref<1x10000x64xf32, #tpu.memory_space<hbm>>
    %dma_wait3A_92 = tpu.memref_squeeze %dma_wait3A_91 : memref<1x10000x64xf32, #tpu.memory_space<hbm>> -> memref<10000x64xf32, #tpu.memory_space<hbm>>
    %dma_wait3A_93 = arith.constant 0 : i32
    %dma_wait3A_94 = arith.constant 0 : i32
    %dma_wait3A_95 = tpu.memref_slice %dma_wait3A_92[%dma_wait3A_93, %dma_wait3A_94] : memref<10000x64xf32, #tpu.memory_space<hbm>> -> memref<10000x64xf32, #tpu.memory_space<hbm>>
    tpu.wait_indirect_dma semaphore(%arg12 : memref<!tpu.dma_semaphore, #tpu.memory_space<semaphore_mem>>) src(%dma_wait3A_95 : memref<10000x64xf32, #tpu.memory_space<hbm>>) dst(%arg9 : memref<128x64xf32, #tpu.memory_space<vmem>>)
    %run_scoped3A = arith.constant 156 : i32
    "tpu.region"() ({
      %run_scoped3A_124 = tpu.sem_alloc : memref<!tpu.dma_semaphore, #tpu.memory_space<semaphore_mem>>
      %dma_start3A_125 = arith.constant 0 : i32
      %dma_start3A_126 = tpu.memref_slice %arg8[%run_scoped3A, %dma_start3A_125] : memref<158x128xi32, #tpu.memory_space<vmem>> -> memref<1x128xi32, #tpu.memory_space<vmem>>
      %dma_start3A_127 = tpu.memref_squeeze %dma_start3A_126 : memref<1x128xi32, #tpu.memory_space<vmem>> -> memref<128xi32, #tpu.memory_space<vmem>>
      %dma_start3A_128 = arith.constant 0 : i32
      %dma_start3A_129 = arith.constant 0 : i32
      %dma_start3A_130 = tpu.memref_slice %arg11[%dma_start3A_128, %dma_start3A_129] : memref<10016x64xf32, #tpu.memory_space<vmem_shared>> -> memref<10016x64xf32, #tpu.memory_space<vmem_shared>>
      tpu.enqueue_indirect_dma source(%arg9 : memref<128x64xf32, #tpu.memory_space<vmem>>) target(%dma_start3A_130 : memref<10016x64xf32, #tpu.memory_space<vmem_shared>>) offsets(%dma_start3A_127 : memref<128xi32, #tpu.memory_space<vmem>>) semaphore(%run_scoped3A_124 : memref<!tpu.dma_semaphore, #tpu.memory_space<semaphore_mem>>) {add = true}
      %dma_wait3A_131 = arith.constant 0 : i32
      %dma_wait3A_132 = tpu.memref_slice %arg8[%run_scoped3A, %dma_wait3A_131] : memref<158x128xi32, #tpu.memory_space<vmem>> -> memref<1x128xi32, #tpu.memory_space<vmem>>
      %dma_wait3A_133 = tpu.memref_squeeze %dma_wait3A_132 : memref<1x128xi32, #tpu.memory_space<vmem>> -> memref<128xi32, #tpu.memory_space<vmem>>
      %dma_wait3A_134 = arith.constant 0 : i32
      %dma_wait3A_135 = arith.constant 0 : i32
      %dma_wait3A_136 = tpu.memref_slice %arg11[%dma_wait3A_134, %dma_wait3A_135] : memref<10016x64xf32, #tpu.memory_space<vmem_shared>> -> memref<10016x64xf32, #tpu.memory_space<vmem_shared>>
      tpu.wait_indirect_dma semaphore(%run_scoped3A_124 : memref<!tpu.dma_semaphore, #tpu.memory_space<semaphore_mem>>) src(%arg9 : memref<128x64xf32, #tpu.memory_space<vmem>>) dst(%dma_wait3A_136 : memref<10016x64xf32, #tpu.memory_space<vmem_shared>>)
      tpu.yield
    }) : () -> ()
    %eq3A = arith.constant 0 : i32
    %eq3A_96 = arith.cmpi eq, %arg0, %eq3A : i32
    %convert_element_type3A = arith.extui %eq3A_96 : i1 to i32
    %cond3A = arith.constant 0 : i32
    %cond3A_97 = arith.cmpi ne, %convert_element_type3A, %cond3A : i32
    scf.if %cond3A_97 {
      %run_scoped3A_124 = arith.constant 156 : i32
      "tpu.region"() ({
        %run_scoped3A_125 = tpu.sem_alloc : memref<!tpu.dma_semaphore, #tpu.memory_space<semaphore_mem>>
        %dma_start3A_126 = arith.constant 0 : i32
        %dma_start3A_127 = tpu.memref_slice %arg8[%run_scoped3A_124, %dma_start3A_126] : memref<158x128xi32, #tpu.memory_space<vmem>> -> memref<1x128xi32, #tpu.memory_space<vmem>>
        %dma_start3A_128 = tpu.memref_squeeze %dma_start3A_127 : memref<1x128xi32, #tpu.memory_space<vmem>> -> memref<128xi32, #tpu.memory_space<vmem>>
        %dma_start3A_129 = arith.constant 0 : i32
        %dma_start3A_130 = arith.constant 0 : i32
        %dma_start3A_131 = tpu.memref_slice %arg15[%dma_start3A_129, %dma_start3A_130] : memref<10016x16xf32, #tpu.memory_space<vmem_shared>> -> memref<10016x16xf32, #tpu.memory_space<vmem_shared>>
        tpu.enqueue_indirect_dma source(%arg14 : memref<128x16xf32, #tpu.memory_space<vmem>>) target(%dma_start3A_131 : memref<10016x16xf32, #tpu.memory_space<vmem_shared>>) offsets(%dma_start3A_128 : memref<128xi32, #tpu.memory_space<vmem>>) semaphore(%run_scoped3A_125 : memref<!tpu.dma_semaphore, #tpu.memory_space<semaphore_mem>>) {add = true}
        %dma_wait3A_132 = arith.constant 0 : i32
        %dma_wait3A_133 = tpu.memref_slice %arg8[%run_scoped3A_124, %dma_wait3A_132] : memref<158x128xi32, #tpu.memory_space<vmem>> -> memref<1x128xi32, #tpu.memory_space<vmem>>
        %dma_wait3A_134 = tpu.memref_squeeze %dma_wait3A_133 : memref<1x128xi32, #tpu.memory_space<vmem>> -> memref<128xi32, #tpu.memory_space<vmem>>
        %dma_wait3A_135 = arith.constant 0 : i32
        %dma_wait3A_136 = arith.constant 0 : i32
        %dma_wait3A_137 = tpu.memref_slice %arg15[%dma_wait3A_135, %dma_wait3A_136] : memref<10016x16xf32, #tpu.memory_space<vmem_shared>> -> memref<10016x16xf32, #tpu.memory_space<vmem_shared>>
        tpu.wait_indirect_dma semaphore(%run_scoped3A_125 : memref<!tpu.dma_semaphore, #tpu.memory_space<semaphore_mem>>) src(%arg14 : memref<128x16xf32, #tpu.memory_space<vmem>>) dst(%dma_wait3A_137 : memref<10016x16xf32, #tpu.memory_space<vmem_shared>>)
        tpu.yield
      }) : () -> ()
    } else {
    }
    %dma_wait3A_98 = arith.constant 157 : i32
    %dma_wait3A_99 = arith.constant 0 : i32
    %dma_wait3A_100 = tpu.memref_slice %arg7[%dma_wait3A_98, %dma_wait3A_99] : memref<158x128xi32, #tpu.memory_space<vmem>> -> memref<1x128xi32, #tpu.memory_space<vmem>>
    %dma_wait3A_101 = tpu.memref_squeeze %dma_wait3A_100 : memref<1x128xi32, #tpu.memory_space<vmem>> -> memref<128xi32, #tpu.memory_space<vmem>>
    %dma_wait3A_102 = arith.constant 0 : i32
    %dma_wait3A_103 = arith.constant 0 : i32
    %dma_wait3A_104 = tpu.memref_slice %arg2[%arg0, %dma_wait3A_102, %dma_wait3A_103] : memref<2x10000x64xf32, #tpu.memory_space<hbm>> -> memref<1x10000x64xf32, #tpu.memory_space<hbm>>
    %dma_wait3A_105 = tpu.memref_squeeze %dma_wait3A_104 : memref<1x10000x64xf32, #tpu.memory_space<hbm>> -> memref<10000x64xf32, #tpu.memory_space<hbm>>
    %dma_wait3A_106 = arith.constant 0 : i32
    %dma_wait3A_107 = arith.constant 0 : i32
    %dma_wait3A_108 = tpu.memref_slice %dma_wait3A_105[%dma_wait3A_106, %dma_wait3A_107] : memref<10000x64xf32, #tpu.memory_space<hbm>> -> memref<10000x64xf32, #tpu.memory_space<hbm>>
    tpu.wait_indirect_dma semaphore(%arg13 : memref<!tpu.dma_semaphore, #tpu.memory_space<semaphore_mem>>) src(%dma_wait3A_108 : memref<10000x64xf32, #tpu.memory_space<hbm>>) dst(%arg10 : memref<128x64xf32, #tpu.memory_space<vmem>>)
    %run_scoped3A_109 = arith.constant 157 : i32
    "tpu.region"() ({
      %run_scoped3A_124 = tpu.sem_alloc : memref<!tpu.dma_semaphore, #tpu.memory_space<semaphore_mem>>
      %dma_start3A_125 = arith.constant 0 : i32
      %dma_start3A_126 = tpu.memref_slice %arg8[%run_scoped3A_109, %dma_start3A_125] : memref<158x128xi32, #tpu.memory_space<vmem>> -> memref<1x128xi32, #tpu.memory_space<vmem>>
      %dma_start3A_127 = tpu.memref_squeeze %dma_start3A_126 : memref<1x128xi32, #tpu.memory_space<vmem>> -> memref<128xi32, #tpu.memory_space<vmem>>
      %dma_start3A_128 = arith.constant 0 : i32
      %dma_start3A_129 = arith.constant 0 : i32
      %dma_start3A_130 = tpu.memref_slice %arg11[%dma_start3A_128, %dma_start3A_129] : memref<10016x64xf32, #tpu.memory_space<vmem_shared>> -> memref<10016x64xf32, #tpu.memory_space<vmem_shared>>
      tpu.enqueue_indirect_dma source(%arg10 : memref<128x64xf32, #tpu.memory_space<vmem>>) target(%dma_start3A_130 : memref<10016x64xf32, #tpu.memory_space<vmem_shared>>) offsets(%dma_start3A_127 : memref<128xi32, #tpu.memory_space<vmem>>) semaphore(%run_scoped3A_124 : memref<!tpu.dma_semaphore, #tpu.memory_space<semaphore_mem>>) {add = true}
      %dma_wait3A_131 = arith.constant 0 : i32
      %dma_wait3A_132 = tpu.memref_slice %arg8[%run_scoped3A_109, %dma_wait3A_131] : memref<158x128xi32, #tpu.memory_space<vmem>> -> memref<1x128xi32, #tpu.memory_space<vmem>>
      %dma_wait3A_133 = tpu.memref_squeeze %dma_wait3A_132 : memref<1x128xi32, #tpu.memory_space<vmem>> -> memref<128xi32, #tpu.memory_space<vmem>>
      %dma_wait3A_134 = arith.constant 0 : i32
      %dma_wait3A_135 = arith.constant 0 : i32
      %dma_wait3A_136 = tpu.memref_slice %arg11[%dma_wait3A_134, %dma_wait3A_135] : memref<10016x64xf32, #tpu.memory_space<vmem_shared>> -> memref<10016x64xf32, #tpu.memory_space<vmem_shared>>
      tpu.wait_indirect_dma semaphore(%run_scoped3A_124 : memref<!tpu.dma_semaphore, #tpu.memory_space<semaphore_mem>>) src(%arg10 : memref<128x64xf32, #tpu.memory_space<vmem>>) dst(%dma_wait3A_136 : memref<10016x64xf32, #tpu.memory_space<vmem_shared>>)
      tpu.yield
    }) : () -> ()
    %eq3A_110 = arith.constant 1 : i32
    %eq3A_111 = arith.cmpi eq, %arg0, %eq3A_110 : i32
    %convert_element_type3A_112 = arith.extui %eq3A_111 : i1 to i32
    %cond3A_113 = arith.constant 0 : i32
    %cond3A_114 = arith.cmpi ne, %convert_element_type3A_112, %cond3A_113 : i32
    scf.if %cond3A_114 {
      %run_scoped3A_124 = arith.constant 157 : i32
      "tpu.region"() ({
        %run_scoped3A_125 = tpu.sem_alloc : memref<!tpu.dma_semaphore, #tpu.memory_space<semaphore_mem>>
        %dma_start3A_126 = arith.constant 0 : i32
        %dma_start3A_127 = tpu.memref_slice %arg8[%run_scoped3A_124, %dma_start3A_126] : memref<158x128xi32, #tpu.memory_space<vmem>> -> memref<1x128xi32, #tpu.memory_space<vmem>>
        %dma_start3A_128 = tpu.memref_squeeze %dma_start3A_127 : memref<1x128xi32, #tpu.memory_space<vmem>> -> memref<128xi32, #tpu.memory_space<vmem>>
        %dma_start3A_129 = arith.constant 0 : i32
        %dma_start3A_130 = arith.constant 0 : i32
        %dma_start3A_131 = tpu.memref_slice %arg15[%dma_start3A_129, %dma_start3A_130] : memref<10016x16xf32, #tpu.memory_space<vmem_shared>> -> memref<10016x16xf32, #tpu.memory_space<vmem_shared>>
        tpu.enqueue_indirect_dma source(%arg14 : memref<128x16xf32, #tpu.memory_space<vmem>>) target(%dma_start3A_131 : memref<10016x16xf32, #tpu.memory_space<vmem_shared>>) offsets(%dma_start3A_128 : memref<128xi32, #tpu.memory_space<vmem>>) semaphore(%run_scoped3A_125 : memref<!tpu.dma_semaphore, #tpu.memory_space<semaphore_mem>>) {add = true}
        %dma_wait3A_132 = arith.constant 0 : i32
        %dma_wait3A_133 = tpu.memref_slice %arg8[%run_scoped3A_124, %dma_wait3A_132] : memref<158x128xi32, #tpu.memory_space<vmem>> -> memref<1x128xi32, #tpu.memory_space<vmem>>
        %dma_wait3A_134 = tpu.memref_squeeze %dma_wait3A_133 : memref<1x128xi32, #tpu.memory_space<vmem>> -> memref<128xi32, #tpu.memory_space<vmem>>
        %dma_wait3A_135 = arith.constant 0 : i32
        %dma_wait3A_136 = arith.constant 0 : i32
        %dma_wait3A_137 = tpu.memref_slice %arg15[%dma_wait3A_135, %dma_wait3A_136] : memref<10016x16xf32, #tpu.memory_space<vmem_shared>> -> memref<10016x16xf32, #tpu.memory_space<vmem_shared>>
        tpu.wait_indirect_dma semaphore(%run_scoped3A_125 : memref<!tpu.dma_semaphore, #tpu.memory_space<semaphore_mem>>) src(%arg14 : memref<128x16xf32, #tpu.memory_space<vmem>>) dst(%dma_wait3A_137 : memref<10016x16xf32, #tpu.memory_space<vmem_shared>>)
        tpu.yield
      }) : () -> ()
    } else {
    }
    %barrier3A_115 = arith.constant 0 : index
    tpu.barrier barrier_id(%barrier3A_115)
    %mul3A_116 = arith.constant 626 : i32
    %mul3A_117 = arith.muli %arg1, %mul3A_116 : i32
    %mul3A_118 = arith.constant 626 : i32
    %mul3A_119 = arith.muli %arg1, %mul3A_118 : i32
    "tpu.region"() ({
      %run_scoped3A_124 = tpu.sem_alloc : memref<!tpu.dma_semaphore, #tpu.memory_space<semaphore_mem>>
      %dma_start3A_125 = arith.constant 0 : i32
      %dma_start3A_126 = tpu.memref_slice %arg5[%arg0, %mul3A_119, %dma_start3A_125] : memref<2x10016x64xf32, #tpu.memory_space<hbm>> -> memref<1x626x64xf32, #tpu.memory_space<hbm>>
      %dma_start3A_127 = tpu.memref_squeeze %dma_start3A_126 : memref<1x626x64xf32, #tpu.memory_space<hbm>> -> memref<626x64xf32, #tpu.memory_space<hbm>>
      %dma_start3A_128 = arith.constant 0 : i32
      %dma_start3A_129 = tpu.memref_slice %arg11[%mul3A_117, %dma_start3A_128] : memref<10016x64xf32, #tpu.memory_space<vmem_shared>> -> memref<626x64xf32, #tpu.memory_space<vmem_shared>>
      tpu.enqueue_dma source(%dma_start3A_129 : memref<626x64xf32, #tpu.memory_space<vmem_shared>>) target(%dma_start3A_127 : memref<626x64xf32, #tpu.memory_space<hbm>>) target_semaphore(%run_scoped3A_124 : memref<!tpu.dma_semaphore, #tpu.memory_space<semaphore_mem>>)
      %dma_wait3A_130 = arith.constant 0 : i32
      %dma_wait3A_131 = tpu.memref_slice %arg5[%arg0, %mul3A_119, %dma_wait3A_130] : memref<2x10016x64xf32, #tpu.memory_space<hbm>> -> memref<1x626x64xf32, #tpu.memory_space<hbm>>
      %dma_wait3A_132 = tpu.memref_squeeze %dma_wait3A_131 : memref<1x626x64xf32, #tpu.memory_space<hbm>> -> memref<626x64xf32, #tpu.memory_space<hbm>>
      %dma_wait3A_133 = arith.constant 0 : i32
      %dma_wait3A_134 = tpu.memref_slice %arg11[%mul3A_117, %dma_wait3A_133] : memref<10016x64xf32, #tpu.memory_space<vmem_shared>> -> memref<626x64xf32, #tpu.memory_space<vmem_shared>>
      tpu.wait_dma2 semaphore(%run_scoped3A_124 : memref<!tpu.dma_semaphore, #tpu.memory_space<semaphore_mem>>) src(%dma_wait3A_134 : memref<626x64xf32, #tpu.memory_space<vmem_shared>>) dst(%dma_wait3A_132 : memref<626x64xf32, #tpu.memory_space<hbm>>)
      tpu.yield
    }) : () -> ()
    %mul3A_120 = arith.constant 626 : i32
    %mul3A_121 = arith.muli %arg1, %mul3A_120 : i32
    %mul3A_122 = arith.constant 626 : i32
    %mul3A_123 = arith.muli %arg1, %mul3A_122 : i32
    "tpu.region"() ({
      %run_scoped3A_124 = tpu.sem_alloc : memref<!tpu.dma_semaphore, #tpu.memory_space<semaphore_mem>>
      %dma_start3A_125 = arith.constant 0 : i32
      %dma_start3A_126 = tpu.memref_slice %arg6[%arg0, %mul3A_123, %dma_start3A_125] : memref<2x10016x16xf32, #tpu.memory_space<hbm>> -> memref<1x626x16xf32, #tpu.memory_space<hbm>>
      %dma_start3A_127 = tpu.memref_squeeze %dma_start3A_126 : memref<1x626x16xf32, #tpu.memory_space<hbm>> -> memref<626x16xf32, #tpu.memory_space<hbm>>
      %dma_start3A_128 = arith.constant 0 : i32
      %dma_start3A_129 = tpu.memref_slice %arg15[%mul3A_121, %dma_start3A_128] : memref<10016x16xf32, #tpu.memory_space<vmem_shared>> -> memref<626x16xf32, #tpu.memory_space<vmem_shared>>
      tpu.enqueue_dma source(%dma_start3A_129 : memref<626x16xf32, #tpu.memory_space<vmem_shared>>) target(%dma_start3A_127 : memref<626x16xf32, #tpu.memory_space<hbm>>) target_semaphore(%run_scoped3A_124 : memref<!tpu.dma_semaphore, #tpu.memory_space<semaphore_mem>>)
      %dma_wait3A_130 = arith.constant 0 : i32
      %dma_wait3A_131 = tpu.memref_slice %arg6[%arg0, %mul3A_123, %dma_wait3A_130] : memref<2x10016x16xf32, #tpu.memory_space<hbm>> -> memref<1x626x16xf32, #tpu.memory_space<hbm>>
      %dma_wait3A_132 = tpu.memref_squeeze %dma_wait3A_131 : memref<1x626x16xf32, #tpu.memory_space<hbm>> -> memref<626x16xf32, #tpu.memory_space<hbm>>
      %dma_wait3A_133 = arith.constant 0 : i32
      %dma_wait3A_134 = tpu.memref_slice %arg15[%mul3A_121, %dma_wait3A_133] : memref<10016x16xf32, #tpu.memory_space<vmem_shared>> -> memref<626x16xf32, #tpu.memory_space<vmem_shared>>
      tpu.wait_dma2 semaphore(%run_scoped3A_124 : memref<!tpu.dma_semaphore, #tpu.memory_space<semaphore_mem>>) src(%dma_wait3A_134 : memref<626x16xf32, #tpu.memory_space<vmem_shared>>) dst(%dma_wait3A_132 : memref<626x16xf32, #tpu.memory_space<hbm>>)
      tpu.yield
    }) : () -> ()
    return
  }
}

#map = affine_map<(d0, d1) -> (0, 0, 0)>
#map1 = affine_map<(d0, d1) -> (0, 0)>
module attributes {stable_mosaic.version = 14 : i64} {
  func.func @agg(%arg0: i32, %arg1: i32, %arg2: memref<2x10000x64xf32, #tpu.memory_space<hbm>>, %arg3: memref<2528x128xi32, #tpu.memory_space<hbm>>, %arg4: memref<2528x128xi32, #tpu.memory_space<hbm>>, %arg5: memref<2x10016x64xf32, #tpu.memory_space<hbm>>, %arg6: memref<158x128xi32, #tpu.memory_space<vmem>>, %arg7: memref<158x128xi32, #tpu.memory_space<vmem>>, %arg8: memref<128x64xf32, #tpu.memory_space<vmem>>, %arg9: memref<128x64xf32, #tpu.memory_space<vmem>>, %arg10: memref<10016x64xf32, #tpu.memory_space<vmem_shared>>, %arg11: memref<!tpu.dma_semaphore, #tpu.memory_space<semaphore_mem>>, %arg12: memref<!tpu.dma_semaphore, #tpu.memory_space<semaphore_mem>>) attributes {dimension_semantics = [#tpu.dimension_semantics<core_parallel>, #tpu.dimension_semantics<subcore_parallel>], iteration_bounds = array<i64: 2, 16>, scalar_prefetch = 0 : i64, scratch_operands = 7 : i64, tpu.core_type = #tpu.core_type<sc_vector_subcore>, window_params = [{transform_indices = #map}, {transform_indices = #map1}, {transform_indices = #map1}, {transform_indices = #map}]} {
    %mul3A = arith.constant 158 : i32
    %mul3A_0 = arith.muli %arg1, %mul3A : i32
    "tpu.region"() ({
      %run_scoped3A_80 = tpu.sem_alloc : memref<!tpu.dma_semaphore, #tpu.memory_space<semaphore_mem>>
      %dma_start3A_81 = arith.constant 0 : i32
      %dma_start3A_82 = tpu.memref_slice %arg3[%mul3A_0, %dma_start3A_81] : memref<2528x128xi32, #tpu.memory_space<hbm>> -> memref<158x128xi32, #tpu.memory_space<hbm>>
      %dma_start3A_83 = arith.constant 0 : i32
      %dma_start3A_84 = tpu.memref_slice %arg3[%mul3A_0, %dma_start3A_83] : memref<2528x128xi32, #tpu.memory_space<hbm>> -> memref<158x128xi32, #tpu.memory_space<hbm>>
      tpu.enqueue_dma source(%dma_start3A_84 : memref<158x128xi32, #tpu.memory_space<hbm>>) target(%arg6 : memref<158x128xi32, #tpu.memory_space<vmem>>) target_semaphore(%run_scoped3A_80 : memref<!tpu.dma_semaphore, #tpu.memory_space<semaphore_mem>>)
      %dma_wait3A_85 = arith.constant 0 : i32
      %dma_wait3A_86 = tpu.memref_slice %arg3[%mul3A_0, %dma_wait3A_85] : memref<2528x128xi32, #tpu.memory_space<hbm>> -> memref<158x128xi32, #tpu.memory_space<hbm>>
      %dma_wait3A_87 = arith.constant 0 : i32
      %dma_wait3A_88 = tpu.memref_slice %arg3[%mul3A_0, %dma_wait3A_87] : memref<2528x128xi32, #tpu.memory_space<hbm>> -> memref<158x128xi32, #tpu.memory_space<hbm>>
      tpu.wait_dma2 semaphore(%run_scoped3A_80 : memref<!tpu.dma_semaphore, #tpu.memory_space<semaphore_mem>>) src(%dma_wait3A_88 : memref<158x128xi32, #tpu.memory_space<hbm>>) dst(%arg6 : memref<158x128xi32, #tpu.memory_space<vmem>>)
      tpu.yield
    }) : () -> ()
    %mul3A_1 = arith.constant 158 : i32
    %mul3A_2 = arith.muli %arg1, %mul3A_1 : i32
    "tpu.region"() ({
      %run_scoped3A_80 = tpu.sem_alloc : memref<!tpu.dma_semaphore, #tpu.memory_space<semaphore_mem>>
      %dma_start3A_81 = arith.constant 0 : i32
      %dma_start3A_82 = tpu.memref_slice %arg4[%mul3A_2, %dma_start3A_81] : memref<2528x128xi32, #tpu.memory_space<hbm>> -> memref<158x128xi32, #tpu.memory_space<hbm>>
      %dma_start3A_83 = arith.constant 0 : i32
      %dma_start3A_84 = tpu.memref_slice %arg4[%mul3A_2, %dma_start3A_83] : memref<2528x128xi32, #tpu.memory_space<hbm>> -> memref<158x128xi32, #tpu.memory_space<hbm>>
      tpu.enqueue_dma source(%dma_start3A_84 : memref<158x128xi32, #tpu.memory_space<hbm>>) target(%arg7 : memref<158x128xi32, #tpu.memory_space<vmem>>) target_semaphore(%run_scoped3A_80 : memref<!tpu.dma_semaphore, #tpu.memory_space<semaphore_mem>>)
      %dma_wait3A_85 = arith.constant 0 : i32
      %dma_wait3A_86 = tpu.memref_slice %arg4[%mul3A_2, %dma_wait3A_85] : memref<2528x128xi32, #tpu.memory_space<hbm>> -> memref<158x128xi32, #tpu.memory_space<hbm>>
      %dma_wait3A_87 = arith.constant 0 : i32
      %dma_wait3A_88 = tpu.memref_slice %arg4[%mul3A_2, %dma_wait3A_87] : memref<2528x128xi32, #tpu.memory_space<hbm>> -> memref<158x128xi32, #tpu.memory_space<hbm>>
      tpu.wait_dma2 semaphore(%run_scoped3A_80 : memref<!tpu.dma_semaphore, #tpu.memory_space<semaphore_mem>>) src(%dma_wait3A_88 : memref<158x128xi32, #tpu.memory_space<hbm>>) dst(%arg7 : memref<158x128xi32, #tpu.memory_space<vmem>>)
      tpu.yield
    }) : () -> ()
    %broadcast_in_dim3A = arith.constant 0.000000e+00 : f32
    %broadcast_in_dim3A_3 = vector.broadcast %broadcast_in_dim3A : f32 to vector<16xf32>
    %scan3A = arith.constant 0 : i32
    %scan3A_4 = arith.constant 128 : i32
    %scan3A_5 = arith.addi %scan3A, %scan3A_4 : i32
    %scan3A_6 = arith.constant 1 : i32
    scf.for %scan3A_80 = %scan3A to %scan3A_5 step %scan3A_6  : i32 {
      %swap3A = arith.index_cast %scan3A_80 : i32 to index
      %swap3A_81 = arith.constant 0 : index
      %swap3A_82 = tpu.vector_load %arg8[%swap3A, %swap3A_81] {strides = array<i32>} : memref<128x64xf32, #tpu.memory_space<vmem>>, vector<1x16xf32>,
      %swap3A_83 = vector.shape_cast %swap3A_82 : vector<1x16xf32> to vector<16xf32>
      %swap3A_84 = vector.shape_cast %broadcast_in_dim3A_3 : vector<16xf32> to vector<1x16xf32>
      tpu.vector_store %arg8[%swap3A, %swap3A_81], %swap3A_84 {strides = array<i32>} : memref<128x64xf32, #tpu.memory_space<vmem>>, vector<1x16xf32>,
      %swap3A_85 = arith.index_cast %scan3A_80 : i32 to index
      %swap3A_86 = arith.constant 16 : index
      %swap3A_87 = tpu.vector_load %arg8[%swap3A_85, %swap3A_86] {strides = array<i32>} : memref<128x64xf32, #tpu.memory_space<vmem>>, vector<1x16xf32>,
      %swap3A_88 = vector.shape_cast %swap3A_87 : vector<1x16xf32> to vector<16xf32>
      %swap3A_89 = vector.shape_cast %broadcast_in_dim3A_3 : vector<16xf32> to vector<1x16xf32>
      tpu.vector_store %arg8[%swap3A_85, %swap3A_86], %swap3A_89 {strides = array<i32>} : memref<128x64xf32, #tpu.memory_space<vmem>>, vector<1x16xf32>,
      %swap3A_90 = arith.index_cast %scan3A_80 : i32 to index
      %swap3A_91 = arith.constant 32 : index
      %swap3A_92 = tpu.vector_load %arg8[%swap3A_90, %swap3A_91] {strides = array<i32>} : memref<128x64xf32, #tpu.memory_space<vmem>>, vector<1x16xf32>,
      %swap3A_93 = vector.shape_cast %swap3A_92 : vector<1x16xf32> to vector<16xf32>
      %swap3A_94 = vector.shape_cast %broadcast_in_dim3A_3 : vector<16xf32> to vector<1x16xf32>
      tpu.vector_store %arg8[%swap3A_90, %swap3A_91], %swap3A_94 {strides = array<i32>} : memref<128x64xf32, #tpu.memory_space<vmem>>, vector<1x16xf32>,
      %swap3A_95 = arith.index_cast %scan3A_80 : i32 to index
      %swap3A_96 = arith.constant 48 : index
      %swap3A_97 = tpu.vector_load %arg8[%swap3A_95, %swap3A_96] {strides = array<i32>} : memref<128x64xf32, #tpu.memory_space<vmem>>, vector<1x16xf32>,
      %swap3A_98 = vector.shape_cast %swap3A_97 : vector<1x16xf32> to vector<16xf32>
      %swap3A_99 = vector.shape_cast %broadcast_in_dim3A_3 : vector<16xf32> to vector<1x16xf32>
      tpu.vector_store %arg8[%swap3A_95, %swap3A_96], %swap3A_99 {strides = array<i32>} : memref<128x64xf32, #tpu.memory_space<vmem>>, vector<1x16xf32>,
    }
    %scan3A_7 = arith.constant 128 : i32
    %mul3A_8 = arith.constant 626 : i32
    %mul3A_9 = arith.muli %arg1, %mul3A_8 : i32
    %add3A = arith.constant 0 : i32
    %add3A_10 = arith.addi %mul3A_9, %add3A : i32
    "tpu.region"() ({
      %run_scoped3A_80 = tpu.sem_alloc : memref<!tpu.dma_semaphore, #tpu.memory_space<semaphore_mem>>
      %dma_start3A_81 = arith.constant 0 : i32
      %dma_start3A_82 = arith.constant 0 : i32
      %dma_start3A_83 = tpu.memref_slice %arg8[%dma_start3A_81, %dma_start3A_82] : memref<128x64xf32, #tpu.memory_space<vmem>> -> memref<128x64xf32, #tpu.memory_space<vmem>>
      %dma_start3A_84 = arith.constant 0 : i32
      %dma_start3A_85 = tpu.memref_slice %arg10[%add3A_10, %dma_start3A_84] : memref<10016x64xf32, #tpu.memory_space<vmem_shared>> -> memref<128x64xf32, #tpu.memory_space<vmem_shared>>
      %dma_start3A_86 = arith.constant 0 : i32
      %dma_start3A_87 = tpu.memref_slice %arg10[%add3A_10, %dma_start3A_86] : memref<10016x64xf32, #tpu.memory_space<vmem_shared>> -> memref<128x64xf32, #tpu.memory_space<vmem_shared>>
      %dma_start3A_88 = arith.constant 0 : i32
      %dma_start3A_89 = arith.constant 0 : i32
      %dma_start3A_90 = tpu.memref_slice %arg8[%dma_start3A_88, %dma_start3A_89] : memref<128x64xf32, #tpu.memory_space<vmem>> -> memref<128x64xf32, #tpu.memory_space<vmem>>
      tpu.enqueue_dma source(%dma_start3A_90 : memref<128x64xf32, #tpu.memory_space<vmem>>) target(%dma_start3A_87 : memref<128x64xf32, #tpu.memory_space<vmem_shared>>) target_semaphore(%run_scoped3A_80 : memref<!tpu.dma_semaphore, #tpu.memory_space<semaphore_mem>>)
      %dma_wait3A_91 = arith.constant 0 : i32
      %dma_wait3A_92 = arith.constant 0 : i32
      %dma_wait3A_93 = tpu.memref_slice %arg8[%dma_wait3A_91, %dma_wait3A_92] : memref<128x64xf32, #tpu.memory_space<vmem>> -> memref<128x64xf32, #tpu.memory_space<vmem>>
      %dma_wait3A_94 = arith.constant 0 : i32
      %dma_wait3A_95 = tpu.memref_slice %arg10[%add3A_10, %dma_wait3A_94] : memref<10016x64xf32, #tpu.memory_space<vmem_shared>> -> memref<128x64xf32, #tpu.memory_space<vmem_shared>>
      %dma_wait3A_96 = arith.constant 0 : i32
      %dma_wait3A_97 = tpu.memref_slice %arg10[%add3A_10, %dma_wait3A_96] : memref<10016x64xf32, #tpu.memory_space<vmem_shared>> -> memref<128x64xf32, #tpu.memory_space<vmem_shared>>
      %dma_wait3A_98 = arith.constant 0 : i32
      %dma_wait3A_99 = arith.constant 0 : i32
      %dma_wait3A_100 = tpu.memref_slice %arg8[%dma_wait3A_98, %dma_wait3A_99] : memref<128x64xf32, #tpu.memory_space<vmem>> -> memref<128x64xf32, #tpu.memory_space<vmem>>
      tpu.wait_dma2 semaphore(%run_scoped3A_80 : memref<!tpu.dma_semaphore, #tpu.memory_space<semaphore_mem>>) src(%dma_wait3A_100 : memref<128x64xf32, #tpu.memory_space<vmem>>) dst(%dma_wait3A_97 : memref<128x64xf32, #tpu.memory_space<vmem_shared>>)
      tpu.yield
    }) : () -> ()
    %mul3A_11 = arith.constant 626 : i32
    %mul3A_12 = arith.muli %arg1, %mul3A_11 : i32
    %add3A_13 = arith.constant 128 : i32
    %add3A_14 = arith.addi %mul3A_12, %add3A_13 : i32
    "tpu.region"() ({
      %run_scoped3A_80 = tpu.sem_alloc : memref<!tpu.dma_semaphore, #tpu.memory_space<semaphore_mem>>
      %dma_start3A_81 = arith.constant 0 : i32
      %dma_start3A_82 = arith.constant 0 : i32
      %dma_start3A_83 = tpu.memref_slice %arg8[%dma_start3A_81, %dma_start3A_82] : memref<128x64xf32, #tpu.memory_space<vmem>> -> memref<128x64xf32, #tpu.memory_space<vmem>>
      %dma_start3A_84 = arith.constant 0 : i32
      %dma_start3A_85 = tpu.memref_slice %arg10[%add3A_14, %dma_start3A_84] : memref<10016x64xf32, #tpu.memory_space<vmem_shared>> -> memref<128x64xf32, #tpu.memory_space<vmem_shared>>
      %dma_start3A_86 = arith.constant 0 : i32
      %dma_start3A_87 = tpu.memref_slice %arg10[%add3A_14, %dma_start3A_86] : memref<10016x64xf32, #tpu.memory_space<vmem_shared>> -> memref<128x64xf32, #tpu.memory_space<vmem_shared>>
      %dma_start3A_88 = arith.constant 0 : i32
      %dma_start3A_89 = arith.constant 0 : i32
      %dma_start3A_90 = tpu.memref_slice %arg8[%dma_start3A_88, %dma_start3A_89] : memref<128x64xf32, #tpu.memory_space<vmem>> -> memref<128x64xf32, #tpu.memory_space<vmem>>
      tpu.enqueue_dma source(%dma_start3A_90 : memref<128x64xf32, #tpu.memory_space<vmem>>) target(%dma_start3A_87 : memref<128x64xf32, #tpu.memory_space<vmem_shared>>) target_semaphore(%run_scoped3A_80 : memref<!tpu.dma_semaphore, #tpu.memory_space<semaphore_mem>>)
      %dma_wait3A_91 = arith.constant 0 : i32
      %dma_wait3A_92 = arith.constant 0 : i32
      %dma_wait3A_93 = tpu.memref_slice %arg8[%dma_wait3A_91, %dma_wait3A_92] : memref<128x64xf32, #tpu.memory_space<vmem>> -> memref<128x64xf32, #tpu.memory_space<vmem>>
      %dma_wait3A_94 = arith.constant 0 : i32
      %dma_wait3A_95 = tpu.memref_slice %arg10[%add3A_14, %dma_wait3A_94] : memref<10016x64xf32, #tpu.memory_space<vmem_shared>> -> memref<128x64xf32, #tpu.memory_space<vmem_shared>>
      %dma_wait3A_96 = arith.constant 0 : i32
      %dma_wait3A_97 = tpu.memref_slice %arg10[%add3A_14, %dma_wait3A_96] : memref<10016x64xf32, #tpu.memory_space<vmem_shared>> -> memref<128x64xf32, #tpu.memory_space<vmem_shared>>
      %dma_wait3A_98 = arith.constant 0 : i32
      %dma_wait3A_99 = arith.constant 0 : i32
      %dma_wait3A_100 = tpu.memref_slice %arg8[%dma_wait3A_98, %dma_wait3A_99] : memref<128x64xf32, #tpu.memory_space<vmem>> -> memref<128x64xf32, #tpu.memory_space<vmem>>
      tpu.wait_dma2 semaphore(%run_scoped3A_80 : memref<!tpu.dma_semaphore, #tpu.memory_space<semaphore_mem>>) src(%dma_wait3A_100 : memref<128x64xf32, #tpu.memory_space<vmem>>) dst(%dma_wait3A_97 : memref<128x64xf32, #tpu.memory_space<vmem_shared>>)
      tpu.yield
    }) : () -> ()
    %mul3A_15 = arith.constant 626 : i32
    %mul3A_16 = arith.muli %arg1, %mul3A_15 : i32
    %add3A_17 = arith.constant 256 : i32
    %add3A_18 = arith.addi %mul3A_16, %add3A_17 : i32
    "tpu.region"() ({
      %run_scoped3A_80 = tpu.sem_alloc : memref<!tpu.dma_semaphore, #tpu.memory_space<semaphore_mem>>
      %dma_start3A_81 = arith.constant 0 : i32
      %dma_start3A_82 = arith.constant 0 : i32
      %dma_start3A_83 = tpu.memref_slice %arg8[%dma_start3A_81, %dma_start3A_82] : memref<128x64xf32, #tpu.memory_space<vmem>> -> memref<128x64xf32, #tpu.memory_space<vmem>>
      %dma_start3A_84 = arith.constant 0 : i32
      %dma_start3A_85 = tpu.memref_slice %arg10[%add3A_18, %dma_start3A_84] : memref<10016x64xf32, #tpu.memory_space<vmem_shared>> -> memref<128x64xf32, #tpu.memory_space<vmem_shared>>
      %dma_start3A_86 = arith.constant 0 : i32
      %dma_start3A_87 = tpu.memref_slice %arg10[%add3A_18, %dma_start3A_86] : memref<10016x64xf32, #tpu.memory_space<vmem_shared>> -> memref<128x64xf32, #tpu.memory_space<vmem_shared>>
      %dma_start3A_88 = arith.constant 0 : i32
      %dma_start3A_89 = arith.constant 0 : i32
      %dma_start3A_90 = tpu.memref_slice %arg8[%dma_start3A_88, %dma_start3A_89] : memref<128x64xf32, #tpu.memory_space<vmem>> -> memref<128x64xf32, #tpu.memory_space<vmem>>
      tpu.enqueue_dma source(%dma_start3A_90 : memref<128x64xf32, #tpu.memory_space<vmem>>) target(%dma_start3A_87 : memref<128x64xf32, #tpu.memory_space<vmem_shared>>) target_semaphore(%run_scoped3A_80 : memref<!tpu.dma_semaphore, #tpu.memory_space<semaphore_mem>>)
      %dma_wait3A_91 = arith.constant 0 : i32
      %dma_wait3A_92 = arith.constant 0 : i32
      %dma_wait3A_93 = tpu.memref_slice %arg8[%dma_wait3A_91, %dma_wait3A_92] : memref<128x64xf32, #tpu.memory_space<vmem>> -> memref<128x64xf32, #tpu.memory_space<vmem>>
      %dma_wait3A_94 = arith.constant 0 : i32
      %dma_wait3A_95 = tpu.memref_slice %arg10[%add3A_18, %dma_wait3A_94] : memref<10016x64xf32, #tpu.memory_space<vmem_shared>> -> memref<128x64xf32, #tpu.memory_space<vmem_shared>>
      %dma_wait3A_96 = arith.constant 0 : i32
      %dma_wait3A_97 = tpu.memref_slice %arg10[%add3A_18, %dma_wait3A_96] : memref<10016x64xf32, #tpu.memory_space<vmem_shared>> -> memref<128x64xf32, #tpu.memory_space<vmem_shared>>
      %dma_wait3A_98 = arith.constant 0 : i32
      %dma_wait3A_99 = arith.constant 0 : i32
      %dma_wait3A_100 = tpu.memref_slice %arg8[%dma_wait3A_98, %dma_wait3A_99] : memref<128x64xf32, #tpu.memory_space<vmem>> -> memref<128x64xf32, #tpu.memory_space<vmem>>
      tpu.wait_dma2 semaphore(%run_scoped3A_80 : memref<!tpu.dma_semaphore, #tpu.memory_space<semaphore_mem>>) src(%dma_wait3A_100 : memref<128x64xf32, #tpu.memory_space<vmem>>) dst(%dma_wait3A_97 : memref<128x64xf32, #tpu.memory_space<vmem_shared>>)
      tpu.yield
    }) : () -> ()
    %mul3A_19 = arith.constant 626 : i32
    %mul3A_20 = arith.muli %arg1, %mul3A_19 : i32
    %add3A_21 = arith.constant 384 : i32
    %add3A_22 = arith.addi %mul3A_20, %add3A_21 : i32
    "tpu.region"() ({
      %run_scoped3A_80 = tpu.sem_alloc : memref<!tpu.dma_semaphore, #tpu.memory_space<semaphore_mem>>
      %dma_start3A_81 = arith.constant 0 : i32
      %dma_start3A_82 = arith.constant 0 : i32
      %dma_start3A_83 = tpu.memref_slice %arg8[%dma_start3A_81, %dma_start3A_82] : memref<128x64xf32, #tpu.memory_space<vmem>> -> memref<128x64xf32, #tpu.memory_space<vmem>>
      %dma_start3A_84 = arith.constant 0 : i32
      %dma_start3A_85 = tpu.memref_slice %arg10[%add3A_22, %dma_start3A_84] : memref<10016x64xf32, #tpu.memory_space<vmem_shared>> -> memref<128x64xf32, #tpu.memory_space<vmem_shared>>
      %dma_start3A_86 = arith.constant 0 : i32
      %dma_start3A_87 = tpu.memref_slice %arg10[%add3A_22, %dma_start3A_86] : memref<10016x64xf32, #tpu.memory_space<vmem_shared>> -> memref<128x64xf32, #tpu.memory_space<vmem_shared>>
      %dma_start3A_88 = arith.constant 0 : i32
      %dma_start3A_89 = arith.constant 0 : i32
      %dma_start3A_90 = tpu.memref_slice %arg8[%dma_start3A_88, %dma_start3A_89] : memref<128x64xf32, #tpu.memory_space<vmem>> -> memref<128x64xf32, #tpu.memory_space<vmem>>
      tpu.enqueue_dma source(%dma_start3A_90 : memref<128x64xf32, #tpu.memory_space<vmem>>) target(%dma_start3A_87 : memref<128x64xf32, #tpu.memory_space<vmem_shared>>) target_semaphore(%run_scoped3A_80 : memref<!tpu.dma_semaphore, #tpu.memory_space<semaphore_mem>>)
      %dma_wait3A_91 = arith.constant 0 : i32
      %dma_wait3A_92 = arith.constant 0 : i32
      %dma_wait3A_93 = tpu.memref_slice %arg8[%dma_wait3A_91, %dma_wait3A_92] : memref<128x64xf32, #tpu.memory_space<vmem>> -> memref<128x64xf32, #tpu.memory_space<vmem>>
      %dma_wait3A_94 = arith.constant 0 : i32
      %dma_wait3A_95 = tpu.memref_slice %arg10[%add3A_22, %dma_wait3A_94] : memref<10016x64xf32, #tpu.memory_space<vmem_shared>> -> memref<128x64xf32, #tpu.memory_space<vmem_shared>>
      %dma_wait3A_96 = arith.constant 0 : i32
      %dma_wait3A_97 = tpu.memref_slice %arg10[%add3A_22, %dma_wait3A_96] : memref<10016x64xf32, #tpu.memory_space<vmem_shared>> -> memref<128x64xf32, #tpu.memory_space<vmem_shared>>
      %dma_wait3A_98 = arith.constant 0 : i32
      %dma_wait3A_99 = arith.constant 0 : i32
      %dma_wait3A_100 = tpu.memref_slice %arg8[%dma_wait3A_98, %dma_wait3A_99] : memref<128x64xf32, #tpu.memory_space<vmem>> -> memref<128x64xf32, #tpu.memory_space<vmem>>
      tpu.wait_dma2 semaphore(%run_scoped3A_80 : memref<!tpu.dma_semaphore, #tpu.memory_space<semaphore_mem>>) src(%dma_wait3A_100 : memref<128x64xf32, #tpu.memory_space<vmem>>) dst(%dma_wait3A_97 : memref<128x64xf32, #tpu.memory_space<vmem_shared>>)
      tpu.yield
    }) : () -> ()
    %mul3A_23 = arith.constant 626 : i32
    %mul3A_24 = arith.muli %arg1, %mul3A_23 : i32
    %add3A_25 = arith.constant 512 : i32
    %add3A_26 = arith.addi %mul3A_24, %add3A_25 : i32
    "tpu.region"() ({
      %run_scoped3A_80 = tpu.sem_alloc : memref<!tpu.dma_semaphore, #tpu.memory_space<semaphore_mem>>
      %dma_start3A_81 = arith.constant 0 : i32
      %dma_start3A_82 = arith.constant 0 : i32
      %dma_start3A_83 = tpu.memref_slice %arg8[%dma_start3A_81, %dma_start3A_82] : memref<128x64xf32, #tpu.memory_space<vmem>> -> memref<114x64xf32, #tpu.memory_space<vmem>>
      %dma_start3A_84 = arith.constant 0 : i32
      %dma_start3A_85 = tpu.memref_slice %arg10[%add3A_26, %dma_start3A_84] : memref<10016x64xf32, #tpu.memory_space<vmem_shared>> -> memref<114x64xf32, #tpu.memory_space<vmem_shared>>
      %dma_start3A_86 = arith.constant 0 : i32
      %dma_start3A_87 = tpu.memref_slice %arg10[%add3A_26, %dma_start3A_86] : memref<10016x64xf32, #tpu.memory_space<vmem_shared>> -> memref<114x64xf32, #tpu.memory_space<vmem_shared>>
      %dma_start3A_88 = arith.constant 0 : i32
      %dma_start3A_89 = arith.constant 0 : i32
      %dma_start3A_90 = tpu.memref_slice %arg8[%dma_start3A_88, %dma_start3A_89] : memref<128x64xf32, #tpu.memory_space<vmem>> -> memref<114x64xf32, #tpu.memory_space<vmem>>
      tpu.enqueue_dma source(%dma_start3A_90 : memref<114x64xf32, #tpu.memory_space<vmem>>) target(%dma_start3A_87 : memref<114x64xf32, #tpu.memory_space<vmem_shared>>) target_semaphore(%run_scoped3A_80 : memref<!tpu.dma_semaphore, #tpu.memory_space<semaphore_mem>>)
      %dma_wait3A_91 = arith.constant 0 : i32
      %dma_wait3A_92 = arith.constant 0 : i32
      %dma_wait3A_93 = tpu.memref_slice %arg8[%dma_wait3A_91, %dma_wait3A_92] : memref<128x64xf32, #tpu.memory_space<vmem>> -> memref<114x64xf32, #tpu.memory_space<vmem>>
      %dma_wait3A_94 = arith.constant 0 : i32
      %dma_wait3A_95 = tpu.memref_slice %arg10[%add3A_26, %dma_wait3A_94] : memref<10016x64xf32, #tpu.memory_space<vmem_shared>> -> memref<114x64xf32, #tpu.memory_space<vmem_shared>>
      %dma_wait3A_96 = arith.constant 0 : i32
      %dma_wait3A_97 = tpu.memref_slice %arg10[%add3A_26, %dma_wait3A_96] : memref<10016x64xf32, #tpu.memory_space<vmem_shared>> -> memref<114x64xf32, #tpu.memory_space<vmem_shared>>
      %dma_wait3A_98 = arith.constant 0 : i32
      %dma_wait3A_99 = arith.constant 0 : i32
      %dma_wait3A_100 = tpu.memref_slice %arg8[%dma_wait3A_98, %dma_wait3A_99] : memref<128x64xf32, #tpu.memory_space<vmem>> -> memref<114x64xf32, #tpu.memory_space<vmem>>
      tpu.wait_dma2 semaphore(%run_scoped3A_80 : memref<!tpu.dma_semaphore, #tpu.memory_space<semaphore_mem>>) src(%dma_wait3A_100 : memref<114x64xf32, #tpu.memory_space<vmem>>) dst(%dma_wait3A_97 : memref<114x64xf32, #tpu.memory_space<vmem_shared>>)
      tpu.yield
    }) : () -> ()
    %barrier3A = arith.constant 0 : index
    tpu.barrier barrier_id(%barrier3A)
    %dma_start3A = arith.constant 0 : i32
    %dma_start3A_27 = arith.constant 0 : i32
    %dma_start3A_28 = tpu.memref_slice %arg6[%dma_start3A, %dma_start3A_27] : memref<158x128xi32, #tpu.memory_space<vmem>> -> memref<1x128xi32, #tpu.memory_space<vmem>>
    %dma_start3A_29 = tpu.memref_squeeze %dma_start3A_28 : memref<1x128xi32, #tpu.memory_space<vmem>> -> memref<128xi32, #tpu.memory_space<vmem>>
    %dma_start3A_30 = arith.constant 0 : i32
    %dma_start3A_31 = arith.constant 0 : i32
    %dma_start3A_32 = tpu.memref_slice %arg2[%arg0, %dma_start3A_30, %dma_start3A_31] : memref<2x10000x64xf32, #tpu.memory_space<hbm>> -> memref<1x10000x64xf32, #tpu.memory_space<hbm>>
    %dma_start3A_33 = tpu.memref_squeeze %dma_start3A_32 : memref<1x10000x64xf32, #tpu.memory_space<hbm>> -> memref<10000x64xf32, #tpu.memory_space<hbm>>
    %dma_start3A_34 = arith.constant 0 : i32
    %dma_start3A_35 = arith.constant 0 : i32
    %dma_start3A_36 = tpu.memref_slice %dma_start3A_33[%dma_start3A_34, %dma_start3A_35] : memref<10000x64xf32, #tpu.memory_space<hbm>> -> memref<10000x64xf32, #tpu.memory_space<hbm>>
    tpu.enqueue_indirect_dma source(%dma_start3A_36 : memref<10000x64xf32, #tpu.memory_space<hbm>>) target(%arg8 : memref<128x64xf32, #tpu.memory_space<vmem>>) offsets(%dma_start3A_29 : memref<128xi32, #tpu.memory_space<vmem>>) semaphore(%arg11 : memref<!tpu.dma_semaphore, #tpu.memory_space<semaphore_mem>>)
    %dma_start3A_37 = arith.constant 1 : i32
    %dma_start3A_38 = arith.constant 0 : i32
    %dma_start3A_39 = tpu.memref_slice %arg6[%dma_start3A_37, %dma_start3A_38] : memref<158x128xi32, #tpu.memory_space<vmem>> -> memref<1x128xi32, #tpu.memory_space<vmem>>
    %dma_start3A_40 = tpu.memref_squeeze %dma_start3A_39 : memref<1x128xi32, #tpu.memory_space<vmem>> -> memref<128xi32, #tpu.memory_space<vmem>>
    %dma_start3A_41 = arith.constant 0 : i32
    %dma_start3A_42 = arith.constant 0 : i32
    %dma_start3A_43 = tpu.memref_slice %arg2[%arg0, %dma_start3A_41, %dma_start3A_42] : memref<2x10000x64xf32, #tpu.memory_space<hbm>> -> memref<1x10000x64xf32, #tpu.memory_space<hbm>>
    %dma_start3A_44 = tpu.memref_squeeze %dma_start3A_43 : memref<1x10000x64xf32, #tpu.memory_space<hbm>> -> memref<10000x64xf32, #tpu.memory_space<hbm>>
    %dma_start3A_45 = arith.constant 0 : i32
    %dma_start3A_46 = arith.constant 0 : i32
    %dma_start3A_47 = tpu.memref_slice %dma_start3A_44[%dma_start3A_45, %dma_start3A_46] : memref<10000x64xf32, #tpu.memory_space<hbm>> -> memref<10000x64xf32, #tpu.memory_space<hbm>>
    tpu.enqueue_indirect_dma source(%dma_start3A_47 : memref<10000x64xf32, #tpu.memory_space<hbm>>) target(%arg9 : memref<128x64xf32, #tpu.memory_space<vmem>>) offsets(%dma_start3A_40 : memref<128xi32, #tpu.memory_space<vmem>>) semaphore(%arg12 : memref<!tpu.dma_semaphore, #tpu.memory_space<semaphore_mem>>)
    %scan3A_48 = arith.constant 0 : i32
    %scan3A_49 = arith.constant 78 : i32
    %scan3A_50 = arith.addi %scan3A_48, %scan3A_49 : i32
    %scan3A_51 = arith.constant 1 : i32
    scf.for %scan3A_80 = %scan3A_48 to %scan3A_50 step %scan3A_51  : i32 {
      %mul3A_81 = arith.constant 2 : i32
      %mul3A_82 = arith.muli %mul3A_81, %scan3A_80 : i32
      %add3A_83 = arith.constant 0 : i32
      %add3A_84 = arith.addi %mul3A_82, %add3A_83 : i32
      %dma_wait3A_85 = arith.constant 0 : i32
      %dma_wait3A_86 = tpu.memref_slice %arg6[%add3A_84, %dma_wait3A_85] : memref<158x128xi32, #tpu.memory_space<vmem>> -> memref<1x128xi32, #tpu.memory_space<vmem>>
      %dma_wait3A_87 = tpu.memref_squeeze %dma_wait3A_86 : memref<1x128xi32, #tpu.memory_space<vmem>> -> memref<128xi32, #tpu.memory_space<vmem>>
      %dma_wait3A_88 = arith.constant 0 : i32
      %dma_wait3A_89 = arith.constant 0 : i32
      %dma_wait3A_90 = tpu.memref_slice %arg2[%arg0, %dma_wait3A_88, %dma_wait3A_89] : memref<2x10000x64xf32, #tpu.memory_space<hbm>> -> memref<1x10000x64xf32, #tpu.memory_space<hbm>>
      %dma_wait3A_91 = tpu.memref_squeeze %dma_wait3A_90 : memref<1x10000x64xf32, #tpu.memory_space<hbm>> -> memref<10000x64xf32, #tpu.memory_space<hbm>>
      %dma_wait3A_92 = arith.constant 0 : i32
      %dma_wait3A_93 = arith.constant 0 : i32
      %dma_wait3A_94 = tpu.memref_slice %dma_wait3A_91[%dma_wait3A_92, %dma_wait3A_93] : memref<10000x64xf32, #tpu.memory_space<hbm>> -> memref<10000x64xf32, #tpu.memory_space<hbm>>
      tpu.wait_indirect_dma semaphore(%arg11 : memref<!tpu.dma_semaphore, #tpu.memory_space<semaphore_mem>>) src(%dma_wait3A_94 : memref<10000x64xf32, #tpu.memory_space<hbm>>) dst(%arg8 : memref<128x64xf32, #tpu.memory_space<vmem>>)
      %add3A_95 = arith.constant 0 : i32
      %add3A_96 = arith.addi %mul3A_82, %add3A_95 : i32
      "tpu.region"() ({
        %run_scoped3A_139 = tpu.sem_alloc : memref<!tpu.dma_semaphore, #tpu.memory_space<semaphore_mem>>
        %dma_start3A_140 = arith.constant 0 : i32
        %dma_start3A_141 = tpu.memref_slice %arg7[%add3A_96, %dma_start3A_140] : memref<158x128xi32, #tpu.memory_space<vmem>> -> memref<1x128xi32, #tpu.memory_space<vmem>>
        %dma_start3A_142 = tpu.memref_squeeze %dma_start3A_141 : memref<1x128xi32, #tpu.memory_space<vmem>> -> memref<128xi32, #tpu.memory_space<vmem>>
        %dma_start3A_143 = arith.constant 0 : i32
        %dma_start3A_144 = arith.constant 0 : i32
        %dma_start3A_145 = tpu.memref_slice %arg10[%dma_start3A_143, %dma_start3A_144] : memref<10016x64xf32, #tpu.memory_space<vmem_shared>> -> memref<10016x64xf32, #tpu.memory_space<vmem_shared>>
        tpu.enqueue_indirect_dma source(%arg8 : memref<128x64xf32, #tpu.memory_space<vmem>>) target(%dma_start3A_145 : memref<10016x64xf32, #tpu.memory_space<vmem_shared>>) offsets(%dma_start3A_142 : memref<128xi32, #tpu.memory_space<vmem>>) semaphore(%run_scoped3A_139 : memref<!tpu.dma_semaphore, #tpu.memory_space<semaphore_mem>>) {add = true}
        %dma_wait3A_146 = arith.constant 0 : i32
        %dma_wait3A_147 = tpu.memref_slice %arg7[%add3A_96, %dma_wait3A_146] : memref<158x128xi32, #tpu.memory_space<vmem>> -> memref<1x128xi32, #tpu.memory_space<vmem>>
        %dma_wait3A_148 = tpu.memref_squeeze %dma_wait3A_147 : memref<1x128xi32, #tpu.memory_space<vmem>> -> memref<128xi32, #tpu.memory_space<vmem>>
        %dma_wait3A_149 = arith.constant 0 : i32
        %dma_wait3A_150 = arith.constant 0 : i32
        %dma_wait3A_151 = tpu.memref_slice %arg10[%dma_wait3A_149, %dma_wait3A_150] : memref<10016x64xf32, #tpu.memory_space<vmem_shared>> -> memref<10016x64xf32, #tpu.memory_space<vmem_shared>>
        tpu.wait_indirect_dma semaphore(%run_scoped3A_139 : memref<!tpu.dma_semaphore, #tpu.memory_space<semaphore_mem>>) src(%arg8 : memref<128x64xf32, #tpu.memory_space<vmem>>) dst(%dma_wait3A_151 : memref<10016x64xf32, #tpu.memory_space<vmem_shared>>)
        tpu.yield
      }) : () -> ()
      %add3A_97 = arith.constant 0 : i32
      %add3A_98 = arith.addi %mul3A_82, %add3A_97 : i32
      %add3A_99 = arith.constant 2 : i32
      %add3A_100 = arith.addi %add3A_98, %add3A_99 : i32
      %dma_start3A_101 = arith.constant 0 : i32
      %dma_start3A_102 = tpu.memref_slice %arg6[%add3A_100, %dma_start3A_101] : memref<158x128xi32, #tpu.memory_space<vmem>> -> memref<1x128xi32, #tpu.memory_space<vmem>>
      %dma_start3A_103 = tpu.memref_squeeze %dma_start3A_102 : memref<1x128xi32, #tpu.memory_space<vmem>> -> memref<128xi32, #tpu.memory_space<vmem>>
      %dma_start3A_104 = arith.constant 0 : i32
      %dma_start3A_105 = arith.constant 0 : i32
      %dma_start3A_106 = tpu.memref_slice %arg2[%arg0, %dma_start3A_104, %dma_start3A_105] : memref<2x10000x64xf32, #tpu.memory_space<hbm>> -> memref<1x10000x64xf32, #tpu.memory_space<hbm>>
      %dma_start3A_107 = tpu.memref_squeeze %dma_start3A_106 : memref<1x10000x64xf32, #tpu.memory_space<hbm>> -> memref<10000x64xf32, #tpu.memory_space<hbm>>
      %dma_start3A_108 = arith.constant 0 : i32
      %dma_start3A_109 = arith.constant 0 : i32
      %dma_start3A_110 = tpu.memref_slice %dma_start3A_107[%dma_start3A_108, %dma_start3A_109] : memref<10000x64xf32, #tpu.memory_space<hbm>> -> memref<10000x64xf32, #tpu.memory_space<hbm>>
      tpu.enqueue_indirect_dma source(%dma_start3A_110 : memref<10000x64xf32, #tpu.memory_space<hbm>>) target(%arg8 : memref<128x64xf32, #tpu.memory_space<vmem>>) offsets(%dma_start3A_103 : memref<128xi32, #tpu.memory_space<vmem>>) semaphore(%arg11 : memref<!tpu.dma_semaphore, #tpu.memory_space<semaphore_mem>>)
      %add3A_111 = arith.constant 1 : i32
      %add3A_112 = arith.addi %mul3A_82, %add3A_111 : i32
      %dma_wait3A_113 = arith.constant 0 : i32
      %dma_wait3A_114 = tpu.memref_slice %arg6[%add3A_112, %dma_wait3A_113] : memref<158x128xi32, #tpu.memory_space<vmem>> -> memref<1x128xi32, #tpu.memory_space<vmem>>
      %dma_wait3A_115 = tpu.memref_squeeze %dma_wait3A_114 : memref<1x128xi32, #tpu.memory_space<vmem>> -> memref<128xi32, #tpu.memory_space<vmem>>
      %dma_wait3A_116 = arith.constant 0 : i32
      %dma_wait3A_117 = arith.constant 0 : i32
      %dma_wait3A_118 = tpu.memref_slice %arg2[%arg0, %dma_wait3A_116, %dma_wait3A_117] : memref<2x10000x64xf32, #tpu.memory_space<hbm>> -> memref<1x10000x64xf32, #tpu.memory_space<hbm>>
      %dma_wait3A_119 = tpu.memref_squeeze %dma_wait3A_118 : memref<1x10000x64xf32, #tpu.memory_space<hbm>> -> memref<10000x64xf32, #tpu.memory_space<hbm>>
      %dma_wait3A_120 = arith.constant 0 : i32
      %dma_wait3A_121 = arith.constant 0 : i32
      %dma_wait3A_122 = tpu.memref_slice %dma_wait3A_119[%dma_wait3A_120, %dma_wait3A_121] : memref<10000x64xf32, #tpu.memory_space<hbm>> -> memref<10000x64xf32, #tpu.memory_space<hbm>>
      tpu.wait_indirect_dma semaphore(%arg12 : memref<!tpu.dma_semaphore, #tpu.memory_space<semaphore_mem>>) src(%dma_wait3A_122 : memref<10000x64xf32, #tpu.memory_space<hbm>>) dst(%arg9 : memref<128x64xf32, #tpu.memory_space<vmem>>)
      %add3A_123 = arith.constant 1 : i32
      %add3A_124 = arith.addi %mul3A_82, %add3A_123 : i32
      "tpu.region"() ({
        %run_scoped3A_139 = tpu.sem_alloc : memref<!tpu.dma_semaphore, #tpu.memory_space<semaphore_mem>>
        %dma_start3A_140 = arith.constant 0 : i32
        %dma_start3A_141 = tpu.memref_slice %arg7[%add3A_124, %dma_start3A_140] : memref<158x128xi32, #tpu.memory_space<vmem>> -> memref<1x128xi32, #tpu.memory_space<vmem>>
        %dma_start3A_142 = tpu.memref_squeeze %dma_start3A_141 : memref<1x128xi32, #tpu.memory_space<vmem>> -> memref<128xi32, #tpu.memory_space<vmem>>
        %dma_start3A_143 = arith.constant 0 : i32
        %dma_start3A_144 = arith.constant 0 : i32
        %dma_start3A_145 = tpu.memref_slice %arg10[%dma_start3A_143, %dma_start3A_144] : memref<10016x64xf32, #tpu.memory_space<vmem_shared>> -> memref<10016x64xf32, #tpu.memory_space<vmem_shared>>
        tpu.enqueue_indirect_dma source(%arg9 : memref<128x64xf32, #tpu.memory_space<vmem>>) target(%dma_start3A_145 : memref<10016x64xf32, #tpu.memory_space<vmem_shared>>) offsets(%dma_start3A_142 : memref<128xi32, #tpu.memory_space<vmem>>) semaphore(%run_scoped3A_139 : memref<!tpu.dma_semaphore, #tpu.memory_space<semaphore_mem>>) {add = true}
        %dma_wait3A_146 = arith.constant 0 : i32
        %dma_wait3A_147 = tpu.memref_slice %arg7[%add3A_124, %dma_wait3A_146] : memref<158x128xi32, #tpu.memory_space<vmem>> -> memref<1x128xi32, #tpu.memory_space<vmem>>
        %dma_wait3A_148 = tpu.memref_squeeze %dma_wait3A_147 : memref<1x128xi32, #tpu.memory_space<vmem>> -> memref<128xi32, #tpu.memory_space<vmem>>
        %dma_wait3A_149 = arith.constant 0 : i32
        %dma_wait3A_150 = arith.constant 0 : i32
        %dma_wait3A_151 = tpu.memref_slice %arg10[%dma_wait3A_149, %dma_wait3A_150] : memref<10016x64xf32, #tpu.memory_space<vmem_shared>> -> memref<10016x64xf32, #tpu.memory_space<vmem_shared>>
        tpu.wait_indirect_dma semaphore(%run_scoped3A_139 : memref<!tpu.dma_semaphore, #tpu.memory_space<semaphore_mem>>) src(%arg9 : memref<128x64xf32, #tpu.memory_space<vmem>>) dst(%dma_wait3A_151 : memref<10016x64xf32, #tpu.memory_space<vmem_shared>>)
        tpu.yield
      }) : () -> ()
      %add3A_125 = arith.constant 1 : i32
      %add3A_126 = arith.addi %mul3A_82, %add3A_125 : i32
      %add3A_127 = arith.constant 2 : i32
      %add3A_128 = arith.addi %add3A_126, %add3A_127 : i32
      %dma_start3A_129 = arith.constant 0 : i32
      %dma_start3A_130 = tpu.memref_slice %arg6[%add3A_128, %dma_start3A_129] : memref<158x128xi32, #tpu.memory_space<vmem>> -> memref<1x128xi32, #tpu.memory_space<vmem>>
      %dma_start3A_131 = tpu.memref_squeeze %dma_start3A_130 : memref<1x128xi32, #tpu.memory_space<vmem>> -> memref<128xi32, #tpu.memory_space<vmem>>
      %dma_start3A_132 = arith.constant 0 : i32
      %dma_start3A_133 = arith.constant 0 : i32
      %dma_start3A_134 = tpu.memref_slice %arg2[%arg0, %dma_start3A_132, %dma_start3A_133] : memref<2x10000x64xf32, #tpu.memory_space<hbm>> -> memref<1x10000x64xf32, #tpu.memory_space<hbm>>
      %dma_start3A_135 = tpu.memref_squeeze %dma_start3A_134 : memref<1x10000x64xf32, #tpu.memory_space<hbm>> -> memref<10000x64xf32, #tpu.memory_space<hbm>>
      %dma_start3A_136 = arith.constant 0 : i32
      %dma_start3A_137 = arith.constant 0 : i32
      %dma_start3A_138 = tpu.memref_slice %dma_start3A_135[%dma_start3A_136, %dma_start3A_137] : memref<10000x64xf32, #tpu.memory_space<hbm>> -> memref<10000x64xf32, #tpu.memory_space<hbm>>
      tpu.enqueue_indirect_dma source(%dma_start3A_138 : memref<10000x64xf32, #tpu.memory_space<hbm>>) target(%arg9 : memref<128x64xf32, #tpu.memory_space<vmem>>) offsets(%dma_start3A_131 : memref<128xi32, #tpu.memory_space<vmem>>) semaphore(%arg12 : memref<!tpu.dma_semaphore, #tpu.memory_space<semaphore_mem>>)
    }
    %scan3A_52 = arith.constant 78 : i32
    %dma_wait3A = arith.constant 156 : i32
    %dma_wait3A_53 = arith.constant 0 : i32
    %dma_wait3A_54 = tpu.memref_slice %arg6[%dma_wait3A, %dma_wait3A_53] : memref<158x128xi32, #tpu.memory_space<vmem>> -> memref<1x128xi32, #tpu.memory_space<vmem>>
    %dma_wait3A_55 = tpu.memref_squeeze %dma_wait3A_54 : memref<1x128xi32, #tpu.memory_space<vmem>> -> memref<128xi32, #tpu.memory_space<vmem>>
    %dma_wait3A_56 = arith.constant 0 : i32
    %dma_wait3A_57 = arith.constant 0 : i32
    %dma_wait3A_58 = tpu.memref_slice %arg2[%arg0, %dma_wait3A_56, %dma_wait3A_57] : memref<2x10000x64xf32, #tpu.memory_space<hbm>> -> memref<1x10000x64xf32, #tpu.memory_space<hbm>>
    %dma_wait3A_59 = tpu.memref_squeeze %dma_wait3A_58 : memref<1x10000x64xf32, #tpu.memory_space<hbm>> -> memref<10000x64xf32, #tpu.memory_space<hbm>>
    %dma_wait3A_60 = arith.constant 0 : i32
    %dma_wait3A_61 = arith.constant 0 : i32
    %dma_wait3A_62 = tpu.memref_slice %dma_wait3A_59[%dma_wait3A_60, %dma_wait3A_61] : memref<10000x64xf32, #tpu.memory_space<hbm>> -> memref<10000x64xf32, #tpu.memory_space<hbm>>
    tpu.wait_indirect_dma semaphore(%arg11 : memref<!tpu.dma_semaphore, #tpu.memory_space<semaphore_mem>>) src(%dma_wait3A_62 : memref<10000x64xf32, #tpu.memory_space<hbm>>) dst(%arg8 : memref<128x64xf32, #tpu.memory_space<vmem>>)
    %run_scoped3A = arith.constant 156 : i32
    "tpu.region"() ({
      %run_scoped3A_80 = tpu.sem_alloc : memref<!tpu.dma_semaphore, #tpu.memory_space<semaphore_mem>>
      %dma_start3A_81 = arith.constant 0 : i32
      %dma_start3A_82 = tpu.memref_slice %arg7[%run_scoped3A, %dma_start3A_81] : memref<158x128xi32, #tpu.memory_space<vmem>> -> memref<1x128xi32, #tpu.memory_space<vmem>>
      %dma_start3A_83 = tpu.memref_squeeze %dma_start3A_82 : memref<1x128xi32, #tpu.memory_space<vmem>> -> memref<128xi32, #tpu.memory_space<vmem>>
      %dma_start3A_84 = arith.constant 0 : i32
      %dma_start3A_85 = arith.constant 0 : i32
      %dma_start3A_86 = tpu.memref_slice %arg10[%dma_start3A_84, %dma_start3A_85] : memref<10016x64xf32, #tpu.memory_space<vmem_shared>> -> memref<10016x64xf32, #tpu.memory_space<vmem_shared>>
      tpu.enqueue_indirect_dma source(%arg8 : memref<128x64xf32, #tpu.memory_space<vmem>>) target(%dma_start3A_86 : memref<10016x64xf32, #tpu.memory_space<vmem_shared>>) offsets(%dma_start3A_83 : memref<128xi32, #tpu.memory_space<vmem>>) semaphore(%run_scoped3A_80 : memref<!tpu.dma_semaphore, #tpu.memory_space<semaphore_mem>>) {add = true}
      %dma_wait3A_87 = arith.constant 0 : i32
      %dma_wait3A_88 = tpu.memref_slice %arg7[%run_scoped3A, %dma_wait3A_87] : memref<158x128xi32, #tpu.memory_space<vmem>> -> memref<1x128xi32, #tpu.memory_space<vmem>>
      %dma_wait3A_89 = tpu.memref_squeeze %dma_wait3A_88 : memref<1x128xi32, #tpu.memory_space<vmem>> -> memref<128xi32, #tpu.memory_space<vmem>>
      %dma_wait3A_90 = arith.constant 0 : i32
      %dma_wait3A_91 = arith.constant 0 : i32
      %dma_wait3A_92 = tpu.memref_slice %arg10[%dma_wait3A_90, %dma_wait3A_91] : memref<10016x64xf32, #tpu.memory_space<vmem_shared>> -> memref<10016x64xf32, #tpu.memory_space<vmem_shared>>
      tpu.wait_indirect_dma semaphore(%run_scoped3A_80 : memref<!tpu.dma_semaphore, #tpu.memory_space<semaphore_mem>>) src(%arg8 : memref<128x64xf32, #tpu.memory_space<vmem>>) dst(%dma_wait3A_92 : memref<10016x64xf32, #tpu.memory_space<vmem_shared>>)
      tpu.yield
    }) : () -> ()
    %dma_wait3A_63 = arith.constant 157 : i32
    %dma_wait3A_64 = arith.constant 0 : i32
    %dma_wait3A_65 = tpu.memref_slice %arg6[%dma_wait3A_63, %dma_wait3A_64] : memref<158x128xi32, #tpu.memory_space<vmem>> -> memref<1x128xi32, #tpu.memory_space<vmem>>
    %dma_wait3A_66 = tpu.memref_squeeze %dma_wait3A_65 : memref<1x128xi32, #tpu.memory_space<vmem>> -> memref<128xi32, #tpu.memory_space<vmem>>
    %dma_wait3A_67 = arith.constant 0 : i32
    %dma_wait3A_68 = arith.constant 0 : i32
    %dma_wait3A_69 = tpu.memref_slice %arg2[%arg0, %dma_wait3A_67, %dma_wait3A_68] : memref<2x10000x64xf32, #tpu.memory_space<hbm>> -> memref<1x10000x64xf32, #tpu.memory_space<hbm>>
    %dma_wait3A_70 = tpu.memref_squeeze %dma_wait3A_69 : memref<1x10000x64xf32, #tpu.memory_space<hbm>> -> memref<10000x64xf32, #tpu.memory_space<hbm>>
    %dma_wait3A_71 = arith.constant 0 : i32
    %dma_wait3A_72 = arith.constant 0 : i32
    %dma_wait3A_73 = tpu.memref_slice %dma_wait3A_70[%dma_wait3A_71, %dma_wait3A_72] : memref<10000x64xf32, #tpu.memory_space<hbm>> -> memref<10000x64xf32, #tpu.memory_space<hbm>>
    tpu.wait_indirect_dma semaphore(%arg12 : memref<!tpu.dma_semaphore, #tpu.memory_space<semaphore_mem>>) src(%dma_wait3A_73 : memref<10000x64xf32, #tpu.memory_space<hbm>>) dst(%arg9 : memref<128x64xf32, #tpu.memory_space<vmem>>)
    %run_scoped3A_74 = arith.constant 157 : i32
    "tpu.region"() ({
      %run_scoped3A_80 = tpu.sem_alloc : memref<!tpu.dma_semaphore, #tpu.memory_space<semaphore_mem>>
      %dma_start3A_81 = arith.constant 0 : i32
      %dma_start3A_82 = tpu.memref_slice %arg7[%run_scoped3A_74, %dma_start3A_81] : memref<158x128xi32, #tpu.memory_space<vmem>> -> memref<1x128xi32, #tpu.memory_space<vmem>>
      %dma_start3A_83 = tpu.memref_squeeze %dma_start3A_82 : memref<1x128xi32, #tpu.memory_space<vmem>> -> memref<128xi32, #tpu.memory_space<vmem>>
      %dma_start3A_84 = arith.constant 0 : i32
      %dma_start3A_85 = arith.constant 0 : i32
      %dma_start3A_86 = tpu.memref_slice %arg10[%dma_start3A_84, %dma_start3A_85] : memref<10016x64xf32, #tpu.memory_space<vmem_shared>> -> memref<10016x64xf32, #tpu.memory_space<vmem_shared>>
      tpu.enqueue_indirect_dma source(%arg9 : memref<128x64xf32, #tpu.memory_space<vmem>>) target(%dma_start3A_86 : memref<10016x64xf32, #tpu.memory_space<vmem_shared>>) offsets(%dma_start3A_83 : memref<128xi32, #tpu.memory_space<vmem>>) semaphore(%run_scoped3A_80 : memref<!tpu.dma_semaphore, #tpu.memory_space<semaphore_mem>>) {add = true}
      %dma_wait3A_87 = arith.constant 0 : i32
      %dma_wait3A_88 = tpu.memref_slice %arg7[%run_scoped3A_74, %dma_wait3A_87] : memref<158x128xi32, #tpu.memory_space<vmem>> -> memref<1x128xi32, #tpu.memory_space<vmem>>
      %dma_wait3A_89 = tpu.memref_squeeze %dma_wait3A_88 : memref<1x128xi32, #tpu.memory_space<vmem>> -> memref<128xi32, #tpu.memory_space<vmem>>
      %dma_wait3A_90 = arith.constant 0 : i32
      %dma_wait3A_91 = arith.constant 0 : i32
      %dma_wait3A_92 = tpu.memref_slice %arg10[%dma_wait3A_90, %dma_wait3A_91] : memref<10016x64xf32, #tpu.memory_space<vmem_shared>> -> memref<10016x64xf32, #tpu.memory_space<vmem_shared>>
      tpu.wait_indirect_dma semaphore(%run_scoped3A_80 : memref<!tpu.dma_semaphore, #tpu.memory_space<semaphore_mem>>) src(%arg9 : memref<128x64xf32, #tpu.memory_space<vmem>>) dst(%dma_wait3A_92 : memref<10016x64xf32, #tpu.memory_space<vmem_shared>>)
      tpu.yield
    }) : () -> ()
    %barrier3A_75 = arith.constant 0 : index
    tpu.barrier barrier_id(%barrier3A_75)
    %mul3A_76 = arith.constant 626 : i32
    %mul3A_77 = arith.muli %arg1, %mul3A_76 : i32
    %mul3A_78 = arith.constant 626 : i32
    %mul3A_79 = arith.muli %arg1, %mul3A_78 : i32
    "tpu.region"() ({
      %run_scoped3A_80 = tpu.sem_alloc : memref<!tpu.dma_semaphore, #tpu.memory_space<semaphore_mem>>
      %dma_start3A_81 = arith.constant 0 : i32
      %dma_start3A_82 = tpu.memref_slice %arg5[%arg0, %mul3A_79, %dma_start3A_81] : memref<2x10016x64xf32, #tpu.memory_space<hbm>> -> memref<1x626x64xf32, #tpu.memory_space<hbm>>
      %dma_start3A_83 = tpu.memref_squeeze %dma_start3A_82 : memref<1x626x64xf32, #tpu.memory_space<hbm>> -> memref<626x64xf32, #tpu.memory_space<hbm>>
      %dma_start3A_84 = arith.constant 0 : i32
      %dma_start3A_85 = tpu.memref_slice %arg10[%mul3A_77, %dma_start3A_84] : memref<10016x64xf32, #tpu.memory_space<vmem_shared>> -> memref<626x64xf32, #tpu.memory_space<vmem_shared>>
      tpu.enqueue_dma source(%dma_start3A_85 : memref<626x64xf32, #tpu.memory_space<vmem_shared>>) target(%dma_start3A_83 : memref<626x64xf32, #tpu.memory_space<hbm>>) target_semaphore(%run_scoped3A_80 : memref<!tpu.dma_semaphore, #tpu.memory_space<semaphore_mem>>)
      %dma_wait3A_86 = arith.constant 0 : i32
      %dma_wait3A_87 = tpu.memref_slice %arg5[%arg0, %mul3A_79, %dma_wait3A_86] : memref<2x10016x64xf32, #tpu.memory_space<hbm>> -> memref<1x626x64xf32, #tpu.memory_space<hbm>>
      %dma_wait3A_88 = tpu.memref_squeeze %dma_wait3A_87 : memref<1x626x64xf32, #tpu.memory_space<hbm>> -> memref<626x64xf32, #tpu.memory_space<hbm>>
      %dma_wait3A_89 = arith.constant 0 : i32
      %dma_wait3A_90 = tpu.memref_slice %arg10[%mul3A_77, %dma_wait3A_89] : memref<10016x64xf32, #tpu.memory_space<vmem_shared>> -> memref<626x64xf32, #tpu.memory_space<vmem_shared>>
      tpu.wait_dma2 semaphore(%run_scoped3A_80 : memref<!tpu.dma_semaphore, #tpu.memory_space<semaphore_mem>>) src(%dma_wait3A_90 : memref<626x64xf32, #tpu.memory_space<vmem_shared>>) dst(%dma_wait3A_88 : memref<626x64xf32, #tpu.memory_space<hbm>>)
      tpu.yield
    }) : () -> ()
    return
  }
}

module attributes {stable_mosaic.version = 14 : i64} {
  func.func @_dense_mid(%arg0: i32, %arg1: memref<2x1024x64xf32, #tpu.memory_space<vmem>>, %arg2: memref<2x1024x16xf32, #tpu.memory_space<vmem>>, %arg3: memref<1024x128xf32, #tpu.memory_space<vmem>>, %arg4: memref<128x128xf32, #tpu.memory_space<vmem>>, %arg5: memref<1x128xf32, #tpu.memory_space<vmem>>, %arg6: memref<128x128xf32, #tpu.memory_space<vmem>>, %arg7: memref<128x128xf32, #tpu.memory_space<vmem>>, %arg8: memref<2x1024x64xf32, #tpu.memory_space<vmem>>) attributes {dimension_semantics = [#tpu.dimension_semantics<arbitrary>], iteration_bounds = array<i64: 10>, scalar_prefetch = 0 : i64, scratch_operands = 0 : i64, tpu.core_type = #tpu.core_type<tc>, window_params = [{transform_indices = @transform_0, window_bounds = array<i64: 2, 1024, 64>}, {transform_indices = @transform_1, window_bounds = array<i64: 2, 1024, 16>}, {transform_indices = @transform_2, window_bounds = array<i64: 1024, 128>}, {pipeline_mode = #tpu.pipeline_mode<synchronous>, transform_indices = @transform_3, window_bounds = array<i64: 128, 128>}, {pipeline_mode = #tpu.pipeline_mode<synchronous>, transform_indices = @transform_4, window_bounds = array<i64: 1, 128>}, {pipeline_mode = #tpu.pipeline_mode<synchronous>, transform_indices = @transform_5, window_bounds = array<i64: 128, 128>}, {pipeline_mode = #tpu.pipeline_mode<synchronous>, transform_indices = @transform_6, window_bounds = array<i64: 128, 128>}, {transform_indices = @transform_7, window_bounds = array<i64: 2, 1024, 64>}]} {
    %get3A = arith.constant 0 : index
    %get3A_0 = arith.constant 0 : index
    %get3A_1 = arith.constant 0 : index
    %get3A_2 = vector.load %arg1[%get3A, %get3A_0, %get3A_1] : memref<2x1024x64xf32, #tpu.memory_space<vmem>>, vector<2x1024x64xf32>
    %slice3A = vector.extract_strided_slice %get3A_2 {offsets = [0, 0, 0], sizes = [1, 1024, 64], strides = [1, 1, 1]} : vector<2x1024x64xf32> to vector<1x1024x64xf32>
    %squeeze3A = vector.shape_cast %slice3A : vector<1x1024x64xf32> to vector<1024x64xf32>
    %slice3A_3 = vector.extract_strided_slice %get3A_2 {offsets = [1, 0, 0], sizes = [1, 1024, 64], strides = [1, 1, 1]} : vector<2x1024x64xf32> to vector<1x1024x64xf32>
    %squeeze3A_4 = vector.shape_cast %slice3A_3 : vector<1x1024x64xf32> to vector<1024x64xf32>
    %concatenate3A = tpu.concatenate %squeeze3A, %squeeze3A_4 in 1 : vector<1024x64xf32>, vector<1024x64xf32> -> vector<1024x128xf32>
    %get3A_5 = arith.constant 0 : index
    %get3A_6 = arith.constant 0 : index
    %get3A_7 = arith.constant 0 : index
    %get3A_8 = vector.load %arg2[%get3A_5, %get3A_6, %get3A_7] : memref<2x1024x16xf32, #tpu.memory_space<vmem>>, vector<2x1024x16xf32>
    %slice3A_9 = vector.extract_strided_slice %get3A_8 {offsets = [0, 0, 0], sizes = [1, 1024, 1], strides = [1, 1, 1]} : vector<2x1024x16xf32> to vector<1x1024x1xf32>
    %squeeze3A_10 = vector.shape_cast %slice3A_9 : vector<1x1024x1xf32> to vector<1024x1xf32>
    %slice3A_11 = vector.extract_strided_slice %get3A_8 {offsets = [1, 0, 0], sizes = [1, 1024, 1], strides = [1, 1, 1]} : vector<2x1024x16xf32> to vector<1x1024x1xf32>
    %squeeze3A_12 = vector.shape_cast %slice3A_11 : vector<1x1024x1xf32> to vector<1024x1xf32>
    %add3A = arith.addf %squeeze3A_10, %squeeze3A_12 : vector<1024x1xf32>
    %max3A = arith.constant 1.000000e+00 : f32
    %max3A_13 = vector.broadcast %max3A : f32 to vector<1024x1xf32>
    %max3A_14 = arith.maximumf %add3A, %max3A_13 : vector<1024x1xf32>
    %div3A = vector.broadcast %max3A_14 : vector<1024x1xf32> to vector<1024x128xf32>
    %div3A_15 = arith.divf %concatenate3A, %div3A : vector<1024x128xf32>
    %get3A_16 = arith.constant 0 : index
    %get3A_17 = arith.constant 0 : index
    %get3A_18 = vector.load %arg4[%get3A_16, %get3A_17] : memref<128x128xf32, #tpu.memory_space<vmem>>, vector<128x128xf32>
    %dot_general3A = arith.constant dense<0.000000e+00> : vector<1024x128xf32>
    %dot_general3A_19 = tpu.matmul %div3A_15, %get3A_18, %dot_general3A {dimension_numbers = #tpu.dot_dimension_numbers<[1], [0], [0], [1], [0, 0, 1, 1], [], []>, transpose_lhs_hint = false} : vector<1024x128xf32>, vector<128x128xf32>, vector<1024x128xf32> -> vector<1024x128xf32>
    %get3A_20 = arith.constant 0 : index
    %get3A_21 = arith.constant 0 : index
    %get3A_22 = vector.load %arg5[%get3A_20, %get3A_21] : memref<1x128xf32, #tpu.memory_space<vmem>>, vector<1x128xf32>
    %add3A_23 = vector.broadcast %get3A_22 : vector<1x128xf32> to vector<1024x128xf32>
    %add3A_24 = arith.addf %dot_general3A_19, %add3A_23 : vector<1024x128xf32>
    %get3A_25 = arith.constant 0 : index
    %get3A_26 = arith.constant 0 : index
    %get3A_27 = vector.load %arg3[%get3A_25, %get3A_26] : memref<1024x128xf32, #tpu.memory_space<vmem>>, vector<1024x128xf32>
    %get3A_28 = arith.constant 0 : index
    %get3A_29 = arith.constant 0 : index
    %get3A_30 = vector.load %arg6[%get3A_28, %get3A_29] : memref<128x128xf32, #tpu.memory_space<vmem>>, vector<128x128xf32>
    %dot_general3A_31 = arith.constant dense<0.000000e+00> : vector<1024x128xf32>
    %dot_general3A_32 = tpu.matmul %get3A_27, %get3A_30, %dot_general3A_31 {dimension_numbers = #tpu.dot_dimension_numbers<[1], [0], [0], [1], [0, 0, 1, 1], [], []>, transpose_lhs_hint = false} : vector<1024x128xf32>, vector<128x128xf32>, vector<1024x128xf32> -> vector<1024x128xf32>
    %add3A_33 = arith.addf %add3A_24, %dot_general3A_32 : vector<1024x128xf32>
    %ge3A = arith.constant 0.000000e+00 : f32
    %ge3A_34 = vector.broadcast %ge3A : f32 to vector<1024x128xf32>
    %ge3A_35 = arith.cmpf oge, %add3A_33, %ge3A_34 : vector<1024x128xf32>
    %mul3A = arith.constant 0.00999999977 : f32
    %mul3A_36 = vector.broadcast %mul3A : f32 to vector<1024x128xf32>
    %mul3A_37 = arith.mulf %mul3A_36, %add3A_33 : vector<1024x128xf32>
    %select_n3A = arith.select %ge3A_35, %add3A_33, %mul3A_37 : vector<1024x128xi1>, vector<1024x128xf32>
    %get3A_38 = arith.constant 0 : index
    %get3A_39 = arith.constant 0 : index
    %get3A_40 = vector.load %arg7[%get3A_38, %get3A_39] : memref<128x128xf32, #tpu.memory_space<vmem>>, vector<128x128xf32>
    %dot_general3A_41 = arith.constant dense<0.000000e+00> : vector<1024x128xf32>
    %dot_general3A_42 = tpu.matmul %select_n3A, %get3A_40, %dot_general3A_41 {dimension_numbers = #tpu.dot_dimension_numbers<[1], [0], [0], [1], [0, 0, 1, 1], [], []>, transpose_lhs_hint = false} : vector<1024x128xf32>, vector<128x128xf32>, vector<1024x128xf32> -> vector<1024x128xf32>
    %slice3A_43 = vector.extract_strided_slice %dot_general3A_42 {offsets = [0, 0], sizes = [1024, 64], strides = [1, 1]} : vector<1024x128xf32> to vector<1024x64xf32>
    %swap3A = arith.constant 0 : index
    %swap3A_44 = arith.constant 0 : index
    %swap3A_45 = arith.constant 0 : index
    %swap3A_46 = vector.load %arg8[%swap3A, %swap3A_44, %swap3A_45] : memref<2x1024x64xf32, #tpu.memory_space<vmem>>, vector<1x1024x64xf32>
    %swap3A_47 = vector.shape_cast %swap3A_46 : vector<1x1024x64xf32> to vector<1024x64xf32>
    %swap3A_48 = vector.shape_cast %slice3A_43 : vector<1024x64xf32> to vector<1x1024x64xf32>
    tpu.vector_store %arg8[%swap3A, %swap3A_44, %swap3A_45], %swap3A_48 {strides = array<i32>} : memref<2x1024x64xf32, #tpu.memory_space<vmem>>, vector<1x1024x64xf32>,
    %slice3A_49 = vector.extract_strided_slice %dot_general3A_42 {offsets = [0, 64], sizes = [1024, 64], strides = [1, 1]} : vector<1024x128xf32> to vector<1024x64xf32>
    %swap3A_50 = arith.constant 1 : index
    %swap3A_51 = arith.constant 0 : index
    %swap3A_52 = arith.constant 0 : index
    %swap3A_53 = vector.load %arg8[%swap3A_50, %swap3A_51, %swap3A_52] : memref<2x1024x64xf32, #tpu.memory_space<vmem>>, vector<1x1024x64xf32>
    %swap3A_54 = vector.shape_cast %swap3A_53 : vector<1x1024x64xf32> to vector<1024x64xf32>
    %swap3A_55 = vector.shape_cast %slice3A_49 : vector<1024x64xf32> to vector<1x1024x64xf32>
    tpu.vector_store %arg8[%swap3A_50, %swap3A_51, %swap3A_52], %swap3A_55 {strides = array<i32>} : memref<2x1024x64xf32, #tpu.memory_space<vmem>>, vector<1x1024x64xf32>,
    return
  }
  func.func @transform_0(%arg0: i32) -> (i32, i32, i32) {
    %c0_i32 = arith.constant 0 : i32
    %c0_i32_0 = arith.constant 0 : i32
    %c0_i32_1 = arith.constant 0 : i32
    return %c0_i32, %arg0, %c0_i32_0 : i32, i32, i32
  }
  func.func @transform_1(%arg0: i32) -> (i32, i32, i32) {
    %c0_i32 = arith.constant 0 : i32
    %c0_i32_0 = arith.constant 0 : i32
    %c0_i32_1 = arith.constant 0 : i32
    return %c0_i32, %arg0, %c0_i32_0 : i32, i32, i32
  }
  func.func @transform_2(%arg0: i32) -> (i32, i32) {
    %c0_i32 = arith.constant 0 : i32
    %c0_i32_0 = arith.constant 0 : i32
    return %arg0, %c0_i32 : i32, i32
  }
  func.func @transform_3(%arg0: i32) -> (i32, i32) {
    %c0_i32 = arith.constant 0 : i32
    %c0_i32_0 = arith.constant 0 : i32
    %c0_i32_1 = arith.constant 0 : i32
    return %c0_i32, %c0_i32_0 : i32, i32
  }
  func.func @transform_4(%arg0: i32) -> (i32, i32) {
    %c0_i32 = arith.constant 0 : i32
    %c0_i32_0 = arith.constant 0 : i32
    %c0_i32_1 = arith.constant 0 : i32
    return %c0_i32, %c0_i32_0 : i32, i32
  }
  func.func @transform_5(%arg0: i32) -> (i32, i32) {
    %c0_i32 = arith.constant 0 : i32
    %c0_i32_0 = arith.constant 0 : i32
    %c0_i32_1 = arith.constant 0 : i32
    return %c0_i32, %c0_i32_0 : i32, i32
  }
  func.func @transform_6(%arg0: i32) -> (i32, i32) {
    %c0_i32 = arith.constant 0 : i32
    %c0_i32_0 = arith.constant 0 : i32
    %c0_i32_1 = arith.constant 0 : i32
    return %c0_i32, %c0_i32_0 : i32, i32
  }
  func.func @transform_7(%arg0: i32) -> (i32, i32, i32) {
    %c0_i32 = arith.constant 0 : i32
    %c0_i32_0 = arith.constant 0 : i32
    %c0_i32_1 = arith.constant 0 : i32
    return %c0_i32, %arg0, %c0_i32_0 : i32, i32, i32
  }
}

module attributes {stable_mosaic.version = 14 : i64} {
  func.func @_final(%arg0: i32, %arg1: memref<2x1024x64xf32, #tpu.memory_space<vmem>>, %arg2: memref<1024x128xf32, #tpu.memory_space<vmem>>, %arg3: memref<1x128xf32, #tpu.memory_space<vmem>>, %arg4: memref<1024x128xf32, #tpu.memory_space<vmem>>) attributes {dimension_semantics = [#tpu.dimension_semantics<arbitrary>], iteration_bounds = array<i64: 10>, scalar_prefetch = 0 : i64, scratch_operands = 0 : i64, tpu.core_type = #tpu.core_type<tc>, window_params = [{transform_indices = @transform_0, window_bounds = array<i64: 2, 1024, 64>}, {transform_indices = @transform_1, window_bounds = array<i64: 1024, 128>}, {pipeline_mode = #tpu.pipeline_mode<synchronous>, transform_indices = @transform_2, window_bounds = array<i64: 1, 128>}, {transform_indices = @transform_3, window_bounds = array<i64: 1024, 128>}]} {
    %get3A = arith.constant 0 : index
    %get3A_0 = arith.constant 0 : index
    %get3A_1 = arith.constant 0 : index
    %get3A_2 = vector.load %arg1[%get3A, %get3A_0, %get3A_1] : memref<2x1024x64xf32, #tpu.memory_space<vmem>>, vector<2x1024x64xf32>
    %slice3A = vector.extract_strided_slice %get3A_2 {offsets = [0, 0, 0], sizes = [1, 1024, 64], strides = [1, 1, 1]} : vector<2x1024x64xf32> to vector<1x1024x64xf32>
    %squeeze3A = vector.shape_cast %slice3A : vector<1x1024x64xf32> to vector<1024x64xf32>
    %slice3A_3 = vector.extract_strided_slice %get3A_2 {offsets = [1, 0, 0], sizes = [1, 1024, 64], strides = [1, 1, 1]} : vector<2x1024x64xf32> to vector<1x1024x64xf32>
    %squeeze3A_4 = vector.shape_cast %slice3A_3 : vector<1x1024x64xf32> to vector<1024x64xf32>
    %concatenate3A = tpu.concatenate %squeeze3A, %squeeze3A_4 in 1 : vector<1024x64xf32>, vector<1024x64xf32> -> vector<1024x128xf32>
    %get3A_5 = arith.constant 0 : index
    %get3A_6 = arith.constant 0 : index
    %get3A_7 = vector.load %arg3[%get3A_5, %get3A_6] : memref<1x128xf32, #tpu.memory_space<vmem>>, vector<1x128xf32>
    %add3A = vector.broadcast %get3A_7 : vector<1x128xf32> to vector<1024x128xf32>
    %add3A_8 = arith.addf %concatenate3A, %add3A : vector<1024x128xf32>
    %ge3A = arith.constant 0.000000e+00 : f32
    %ge3A_9 = vector.broadcast %ge3A : f32 to vector<1024x128xf32>
    %ge3A_10 = arith.cmpf oge, %add3A_8, %ge3A_9 : vector<1024x128xf32>
    %mul3A = arith.constant 0.00999999977 : f32
    %mul3A_11 = vector.broadcast %mul3A : f32 to vector<1024x128xf32>
    %mul3A_12 = arith.mulf %mul3A_11, %add3A_8 : vector<1024x128xf32>
    %select_n3A = arith.select %ge3A_10, %add3A_8, %mul3A_12 : vector<1024x128xi1>, vector<1024x128xf32>
    %get3A_13 = arith.constant 0 : index
    %get3A_14 = arith.constant 0 : index
    %get3A_15 = vector.load %arg2[%get3A_13, %get3A_14] : memref<1024x128xf32, #tpu.memory_space<vmem>>, vector<1024x128xf32>
    %add3A_16 = arith.addf %select_n3A, %get3A_15 : vector<1024x128xf32>
    %swap3A = arith.constant 0 : index
    %swap3A_17 = arith.constant 0 : index
    %swap3A_18 = vector.load %arg4[%swap3A, %swap3A_17] : memref<1024x128xf32, #tpu.memory_space<vmem>>, vector<1024x128xf32>
    tpu.vector_store %arg4[%swap3A, %swap3A_17], %add3A_16 {strides = array<i32>} : memref<1024x128xf32, #tpu.memory_space<vmem>>, vector<1024x128xf32>,
    return
  }
  func.func @transform_0(%arg0: i32) -> (i32, i32, i32) {
    %c0_i32 = arith.constant 0 : i32
    %c0_i32_0 = arith.constant 0 : i32
    %c0_i32_1 = arith.constant 0 : i32
    return %c0_i32, %arg0, %c0_i32_0 : i32, i32, i32
  }
  func.func @transform_1(%arg0: i32) -> (i32, i32) {
    %c0_i32 = arith.constant 0 : i32
    %c0_i32_0 = arith.constant 0 : i32
    return %arg0, %c0_i32 : i32, i32
  }
  func.func @transform_2(%arg0: i32) -> (i32, i32) {
    %c0_i32 = arith.constant 0 : i32
    %c0_i32_0 = arith.constant 0 : i32
    %c0_i32_1 = arith.constant 0 : i32
    return %c0_i32, %c0_i32_0 : i32, i32
  }
  func.func @transform_3(%arg0: i32) -> (i32, i32) {
    %c0_i32 = arith.constant 0 : i32
    %c0_i32_0 = arith.constant 0 : i32
    return %arg0, %c0_i32 : i32, i32
  }
}

</mosaic_0001>

<sc_bundles>
// kernel: kernel.6.cloned.1.call-start
scs
__scs_entry_jumppad:
0x0: {  	(pc) =	sbr.rel $0x88, $3  }
0x1: {  	(tag) =	ssettag $0x0;
	lr =	simm.s32 $0x1  }
0x2: {  	[smem:$0x3F9A] =	sst lr;
	_ =	strace $0xD0000000  }
0x3: {  	_ = 	snop  }
0x4: {  	_ = 	snop  }
0x5: {  	_ = 	snop  }
0x6: {  	_ = 	snop  }
0x7: {  	_ = 	snop  }
__scs_overlays_trampoline_lowered:
0x8: {  	[smem:$0x3FA9] =	sst s0  }
0x9: {  	[smem:$0x3FAA] =	sst s1  }
0xa: {  	[smem:$0x3FAB] =	sst s2  }
0xb: {  	[smem:$0x3FAC] =	sst s3  }
0xc: {  	[smem:$0x3FAD] =	sst s4  }
0xd: {  	[smem:$0x3FAE] =	sst s5  }
0xe: {  	[smem:$0x3FAF] =	sst s6  }
0xf: {  	[smem:$0x3FB0] =	sst s7  }
0x10: {  	[smem:$0x3FB1] =	sst s8  }
0x11: {  	[smem:$0x3FB2] =	sst s9;
	s0 =	simm.s32 @!p0 $0x0  }
0x12: {  	s1 =	sld [smem:$0x3F98];
	s0 =	simm.s32 @p0 $0x1  }
0x13: {  	[smem:$0x3FB3] =	sst s0;
	s0 =	simm.s32 @!p1 $0x0  }
0x14: {  	s2 =	sld [smem:$0x3F97];
	s0 =	simm.s32 @p1 $0x1  }
0x15: {  	[smem:$0x3FB4] =	sst s0;
	s0 =	simm.s32 @!p2 $0x0  }
0x16: {  	s3 =	sld [smem:$0x3FDB];
	s0 =	simm.s32 @p2 $0x1  }
0x17: {  	s4 =	simm.s32 $0x1BF5;
	[smem:$0x3FB6] =	sst s0  }
0x18: {  	s0 =	sld [smem:$0x3F99];
	_ =	swait.ge [sflag:s4], $0x0  }
0x19: {  	s7 =	sld [smem:$0x3F9A]  }
0x1a: {  	s8 =	sadd.s32 $0xFFFFE003, lr  }
0x1b: {  	s9 =	sadd.s32 $0xFFFFFEF7, lr;
	s5 =	simm.s32 $0xFFFFFFFF;
	p2 =	slt.u32 s8, $0xFFFFF086  }
0x1c: {  	p1 =	slt.u32 s9, $0xF7A;
	s5 =	simm.s32 @!p2 $0x0  }
0x1d: {  	s5 =	simm.s32 @p1 $0x1;
	p0 =	seq.s32 s7, s2  }
0x1e: {  	s7 =	smul.u32 @!p0 $0xF7A, s2;
	p2 =	seq.s32 @!p0 s5, $0x0  }
0x1f: {  	s9 =	smul.u32 $0xF7A, s1;
	s8 =	simm.s32 @!p0 $0x1BF5;
	p2 =	por !p2, p0  }
0x20: {  	[sflag:s8] =	ssyncset.s32 @!p0 $0xFFFFF086;
	s6 =	sadd.s32 @!p0 s3, s7;
	s7 =	simm.s32 @!p0 $0x108  }
0x21: {  	s3 =	sadd.s32 s3, s9;
	s6 =	sadd.s32 @!p0 $0x88, s6;
	s7 =	simm.s32 @p2 $0x1082  }
0x22: {  	[simem:s7], [sflag:s8] =	dma.local @!p0 [hbm:s6], $0xF7A  }
0x23: {  	s9 =	sor.u32 $0xD0000000, s2;
	s6 =	simm.s32 $0x108;
	_ =	swait.ge @!p0 [sflag:s8], $0x0  }
0x24: {  	s3 =	sadd.s32 $0x88, s3;
	s6 =	simm.s32 @!p1 $0x1082;
	[sflag:s4] =	ssyncset.s32 $0xFFFFF086  }
0x25: {  	[simem:s6], [sflag:s4] =	dma.local [hbm:s3], $0xF7A  }
0x26: {  	[smem:$0x3F9A] =	sst s1;
	(tag) =	ssettag s2;
	_ =	strace s9  }
0x27: {  	s1 =	sld [smem:$0x3FAA]  }
0x28: {  	s2 =	sld [smem:$0x3FAB]  }
0x29: {  	s4 =	sld [smem:$0x3FAD]  }
0x2a: {  	p0 =	seq.s32 s5, $0x0;
	s5 =	sld [smem:$0x3FAE]  }
0x2b: {  	s6 =	sld [smem:$0x3FAF]  }
0x2c: {  	s7 =	sld [smem:$0x3FB0]  }
0x2d: {  	s3 =	simm.s32 $0x108;
	s8 =	sld [smem:$0x3FB1]  }
0x2e: {  	s3 =	simm.s32 @!p0 $0x1082;
	s9 =	sld [smem:$0x3FB2]  }
0x2f: {  	lr =	sadd.s32 s0, s3;
	s0 =	sld [smem:$0x3FA9]  }
0x30: {  	s3 =	sld [smem:$0x3FAC]  }
0x31: {  	[smem:$0x3FB5] =	sst s10  }
0x32: {  	s10 =	sld [smem:$0x3FB3];
	_ =	sdelay $0x3  }
0x33: {  	p0 =	seq.s32 s10, $0x1;
	s10 =	sld [smem:$0x3FB5];
	_ =	sdelay $0x3  }
0x34: {  	[smem:$0x3FB5] =	sst s10  }
0x35: {  	s10 =	sld [smem:$0x3FB4];
	_ =	sdelay $0x3  }
0x36: {  	p1 =	seq.s32 s10, $0x1;
	s10 =	sld [smem:$0x3FB5];
	_ =	sdelay $0x3  }
0x37: {  	[smem:$0x3FB5] =	sst s10  }
0x38: {  	s10 =	sld [smem:$0x3FB6]  }
0x39: {  	_ = 	snop;
	(pc) =	sbr.ind lr, $3  }
0x3a: {  	_ = 	snop  }
0x3b: {  	_ = 	snop  }
0x3c: {  	p2 =	seq.s32 s10, $0x1;
	s10 =	sld [smem:$0x3FB5]  }
0x3d: {  	_ =	shalt  }
0x3e: {  	_ =	shalt  }
0x3f: {  	_ =	shalt  }
0x40: {  	_ =	shalt  }
0x41: {  	_ =	shalt  }
0x42: {  	_ =	shalt  }
0x43: {  	_ =	shalt  }
0x44: {  	_ =	shalt  }
0x45: {  	_ =	shalt  }
0x46: {  	_ =	shalt  }
0x47: {  	_ =	shalt  }
0x48: {  	_ =	shalt  }
0x49: {  	_ =	shalt  }
0x4a: {  	_ =	shalt  }
0x4b: {  	_ =	shalt  }
0x4c: {  	_ =	shalt  }
0x4d: {  	_ =	shalt  }
0x4e: {  	_ =	shalt  }
0x4f: {  	_ =	shalt  }
0x50: {  	_ =	shalt  }
0x51: {  	_ =	shalt  }
0x52: {  	_ =	shalt  }
0x53: {  	_ =	shalt  }
0x54: {  	_ =	shalt  }
0x55: {  	_ =	shalt  }
0x56: {  	_ =	shalt  }
0x57: {  	_ =	shalt  }
0x58: {  	_ =	shalt  }
0x59: {  	_ =	shalt  }
0x5a: {  	_ =	shalt  }
0x5b: {  	_ =	shalt  }
0x5c: {  	_ =	shalt  }
0x5d: {  	_ =	shalt  }
0x5e: {  	_ =	shalt  }
0x5f: {  	_ =	shalt  }
0x60: {  	_ =	shalt  }
0x61: {  	_ =	shalt  }
0x62: {  	_ =	shalt  }
0x63: {  	_ =	shalt  }
0x64: {  	_ =	shalt  }
0x65: {  	_ =	shalt  }
0x66: {  	_ =	shalt  }
0x67: {  	_ =	shalt  }
0x68: {  	_ =	shalt  }
0x69: {  	_ =	shalt  }
0x6a: {  	_ =	shalt  }
0x6b: {  	_ =	shalt  }
0x6c: {  	_ =	shalt  }
0x6d: {  	_ =	shalt  }
0x6e: {  	_ =	shalt  }
0x6f: {  	_ =	shalt  }
0x70: {  	_ =	shalt  }
0x71: {  	_ =	shalt  }
0x72: {  	_ =	shalt  }
0x73: {  	_ =	shalt  }
0x74: {  	_ =	shalt  }
0x75: {  	_ =	shalt  }
0x76: {  	_ =	shalt  }
0x77: {  	_ =	shalt  }
0x78: {  	_ =	shalt  }
0x79: {  	_ =	shalt  }
0x7a: {  	_ =	shalt  }
0x7b: {  	_ =	shalt  }
0x7c: {  	_ =	shalt  }
0x7d: {  	_ =	shalt  }
0x7e: {  	_ =	shalt  }
0x7f: {  	_ =	shalt  }
0x80: {  	_ =	shalt  }
0x81: {  	_ =	shalt  }
0x82: {  	_ =	shalt  }
0x83: {  	_ =	shalt  }
0x84: {  	_ =	shalt  }
0x85: {  	_ =	shalt  }
0x86: {  	_ =	shalt  }
0x87: {  	_ =	shalt  }
.Lfunc_end0:
.L_simem_size_0:
called_computation_lowered:
.L_overlay_start_0:
0x88: {  	s2 =	sld [smem:$0x3FD9]  }
0x89: {  	s3 =	sld [smem:$0x3FFE];
	_ =	sdelay $0x1  }
0x8a: {  	s1 =	srdreg.scid  }
0x8b: {  	s0 =	sand.u32 $0x1, s1  }
0x8c: {  	s17 =	sshll.u32 s0, $0xA;
	s2 =	sadd.s32 s3, s2  }
0x8d: {  	s2 =	sadd.s32 s2, s17  }
0x8e: {  	[smem:$0x3FC1] =	sst s2  }
0x8f: {  	_ = 	snop  }
0x90: {  	s2 =	sld [smem:$0x3FD0];
	(tm) =	ssettm $0x1  }
0x91: {  	s18 =	sld [smem:$0x3FFB];
	_ =	sdelay $0x3  }
0x92: {  	_ =	strace s18  }
0x93: {  	s3 =	sld [smem:$0x3FFC];
	_ =	sdelay $0x3  }
0x94: {  	_ =	strace s3  }
0x95: {  	s3 =	sld [smem:$0x3FFD];
	_ =	sdelay $0x3  }
0x96: {  	_ =	strace s3  }
0x97: {  	_ =	strace $0x8FFFFFFF  }
0x98: {  	s19 =	sld [smem:$0x3FDB];
	_ =	sdelay $0x1  }
0x99: {  	s4 =	simm.s32 $_scs_section_size  }
0x9a: {  	s5 =	simm.s32 $_size__tile_overlayer_lowered;
	s6 =	simm.s32 $_tile_overlayer_lowered  }
0x9b: {  	s22 =	simm.s32 $0x1BFF;
	s21 =	sshll.u32 s6, $0x1;
	s3 =	sadd.s32 s4, s19  }
0x9c: {  	s7 =	simm.s32 $0x0;
	s20 =	sshll.u32 s5, $0x1;
	s5 =	sadd.s32 s21, s3  }
0x9d: {  	[timem:s7], [sflag:s22] =	dma.local [hbm:s5], s20  }
0x9e: {  	_ =	swait.ge [sflag:s22], s20  }
0x9f: {  	s4 =	ssub.s32 $0x0, s20;
	[sflag:s22] =	ssyncset.done $0x0  }
0xa0: {  	[sflag:s22] =	ssyncadd.s32 s4;
	_ =	sdelay $0x1  }
0xa1: {  	s23 =	simm.s32 $0x1B8B  }
0xa2: {  	_ =	swait.ge [sflag:s23], $0x1  }
0xa3: {  	[sflag:s23] =	ssyncset.done $0x0  }
0xa4: {  	s25 =	simm.s32 $0x1B8E;
	s24 =	sld [smem:$0x3FFE];
	[sflag:s23] =	ssyncadd.s32 $0xFFFFFFFF  }
0xa5: {  	s26 =	simm.s32 $execute0_lowered;
	[smem:$0x3FD2] =	sst s25  }
0xa6: {  	s5 =	sshll.u32 s26, $0x1;
	_ =	strace $0x80000046;
	[dreg:$0x1] =	wrdreg $0xFFFFFFFF  }
0xa7: {  	s28 =	simm.s32 $_size_execute0_lowered;
	s3 =	sadd.s32 s3, s5;
	[dreg:$0x0] =	wrdreg $0x0  }
0xa8: {  	s5 =	sshll.u32 s28, $0x1;
	[dreg:$0x2] =	wrdreg s3  }
0xa9: {  	[dreg:$0x3] =	wrdreg s5  }
0xaa: {  	[dreg:$0x4] =	wrdreg $0xC0  }
0xab: {  	_ =	task [dreg:s7], $0x5FFFF  }
0xac: {  	[dreg:$0x1] =	wrdreg $0xFFFFFFFF  }
0xad: {  	[dreg:$0x0] =	wrdreg $0x60  }
0xae: {  	[dreg:$0x2] =	wrdreg s2  }
0xaf: {  	[dreg:$0x3] =	wrdreg s24  }
0xb0: {  	[dreg:$0x4] =	wrdreg $0xDE000  }
0xb1: {  	[dreg:$0x5] =	wrdreg $0x182800  }
0xb2: {  	[dreg:$0x6] =	wrdreg $0x9  }
0xb3: {  	_ =	task.clear_ibuf [dreg:s7], $0x7FFFF;
	_ =	strace $0x90000046  }
0xb4: {  	s29 =	simm.s32 $0x9;
	_ =	strace $0x80000048  }
0xb5: {  	_ =	swait.ge [sflag:s29], $0x1  }
0xb6: {  	[sflag:s29] =	ssyncadd.s32 $0xFFFFFFFF  }
0xb7: {  	_ =	strace $0x90000048  }
0xb8: {  	_ =	sfence  }
0xb9: {  	s30 =	sld [smem:$0x0];
	_ =	sdelay $0x2  }
0xba: {  	s31 =	sshll.u32 s1, $0xD;
	s1 =	sshrl.u32 s1, $0x2  }
0xbb: {  	s3 =	sand.u32 $0x4000, s31;
	s1 =	sadd.s32 s1, s30  }
0xbc: {  	s0 =	sor.u32 s3, s0;
	s1 =	sshll.u32 s1, $0x11  }
0xbd: {  	s0 =	sor.u32 s1, s0  }
0xbe: {  	s0 =	sadd.s32 $0x8F2B, s0  }
0xbf: {  	[sflag:s0] =	ssyncadd.remote.s32 $0x1  }
0xc0: {  	_ =	sfence.sel $0xFFFF  }
0xc1: {  	[dreg:$0x0] =	wrdreg $0xFFFFFFFF;
	(pc) =	sbr.abs _section_cstart, $3  }
0xc2: {  	[dreg:$0x1] =	wrdreg $0xFFFFFFFF  }
0xc3: {  	_ =	task.clear_ibuf [dreg:s7], $0x2FFFF;
	_ =	strace $0x9FFFFFFF  }
0xc4: {  	(tm) =	ssettm $0x7FFFFFFF  }
0xc5: {  	_ =	shalt  }
tec
execute0_lowered:
.L_overlay_start_1:
0x0: {  	(tag) =	ssettag $0x1  }
0x1: {  	s0 =	rddreg [dreg:$0x0];
	s12 =	stileid.u32  }
0x2: {  	s1 =	rddreg [dreg:$0x1];
	s4 =	smul.u32 $0x9E0, s12  }
0x3: {  	s3 =	srdreg.scid;
	s6 =	smul.u32 $0x9C80, s12  }
0x4: {  	s2 =	rddreg [dreg:$0x2];
	s9 =	simm.s32 $0x0;
	s8 =	smul.u32 $0x2720, s12  }
0x5: {  	s28 =	simm.s32 $0x1;
	s5 =	sand.u32 $0x1, s3;
	s12 =	smul.u32 $0x272, s12  }
0x6: {  	s29 =	simm.s32 $0x4;
	s3 =	rddreg [dreg:$0x3];
	s7 =	smul.u32 $0x9C800, s5  }
0x7: {  	s30 =	simm.s32 $0x2;
	[smem:$0x7FF] =	sst s9;
	s15 =	smul.u32 $0x27200, s5  }
0x8: {  	_ =	strace $0x80000047;
	s10 =	ssub.s32 $0x2, s5;
	s26 =	smul.u32 $0x13880, s5  }
0x9: {  	p0 =	sne.s32 s5, $0x0;
	p1 =	seq.s32 s5, $0x0;
	s4 =	sadd.s32 s4, s1  }
0xa: {  	s11 =	sshrl.u32 s10, $0x1;
	s17 =	sadd.s32 $0x80, s12;
	s14 =	sadd.s32 $0x100, s12  }
0xb: {  	s7 =	sadd.s32 s6, s7;
	s9 =	sadd.s32 s8, s15;
	s20 =	ssub.s32 s10, s11  }
0xc: {  	s16 =	sadd.s32 $0xB200, s4;
	s4 =	sadd.s32 $0x1400, s4;
	s19 =	sshll.u32 s17, $0x6  }
0xd: {  	s21 =	sshll.u32 s14, $0x6;
	s15 =	sadd.s32 $0x180, s12;
	s24 =	sshll.u32 s14, $0x4  }
0xe: {  	s7 =	sshrl.u32 s7, $0x3;
	s9 =	sshrl.u32 s9, $0x3;
	[dreg:$0x5] =	wrdreg s16  }
0xf: {  	[dreg:$0x6] =	wrdreg s4;
	s22 =	sshll.u32 s15, $0x6;
	s16 =	sadd.s32 $0x200, s12  }
0x10: {  	s4 =	sshll.u32 s17, $0x4;
	s12 =	sadd.s32 s8, s3;
	s25 =	sshll.u32 s15, $0x4  }
0x11: {  	s14 =	sadd.s32 s24, s3;
	s17 =	sadd.s32 s0, s26;
	s20 =	smax.u32 s20, $0x1  }
0x12: {  	s24 =	simm.s32 $0x17A80;
	s26 =	simm.s32 $0xBE00;
	s18 =	sadd.s32 s7, s1  }
0x13: {  	s1 =	sadd.s32 s9, s1;
	s7 =	sadd.s32 s6, s2;
	s6 =	sadd.s32 s19, s2  }
0x14: {  	s23 =	sshll.u32 s16, $0x6;
	s13 =	sadd.s32 s4, s3;
	s15 =	sadd.s32 s25, s3  }
0x15: {  	s31 =	sshll.u32 s16, $0x4;
	s25 =	simm.s32 $0x80;
	[dreg:$0x7] =	wrdreg s6  }
0x16: {  	s6 =	sadd.s32 s21, s2;
	s16 =	sadd.s32 s31, s3;
	s18 =	sadd.s32 $0x15000, s18  }
0x17: {  	s19 =	sadd.s32 $0x3C200, s1;
	[dreg:$0x8] =	wrdreg s6;
	s6 =	sadd.s32 s22, s2  }
0x18: {  	s21 =	simm.s32 $0x3;
	[dreg:$0x9] =	wrdreg s6;
	s6 =	sadd.s32 s23, s2  }
0x19: {  	v0 =	vimm.f32 $0.0e+00;
	v1 =	vimm.f32 $1.000000000e+00;
	s1 =	simm.s32 $0x0;
	s23 =	simm.s32 $0x9E00;
	[dreg:$0xa] =	wrdreg s6  }
.LBB2_1:
0x1a: {  	s0 =	simm.s32 $0x0;
	s4 =	rddreg [dreg:$0x5]  }
0x1b: {  	[tilespmem:s0], [sflag:$0x3] =	stream.linear.gather [hbm4b:s4+s0], $0x4F00, $0x38;
	[tilespmem:$0x1A9A0] =	vst v63  }
0x1c: {  	_ =	swait.ge [sflag:s21], $0x4F00  }
0x1d: {  	[sflag:s21] =	ssyncset.done $0x0  }
0x1e: {  	s5 =	simm.s32 $0x4F00;
	s31 =	rddreg [dreg:$0x6];
	[sflag:s21] =	ssyncadd.s32 $0xFFFFB100  }
0x1f: {  	[tilespmem:s5], [sflag:$0x3] =	stream.linear.gather [hbm4b:s31+s0], $0x4F00, $0x38;
	[tilespmem:$0x1A9A0] =	vst v63  }
0x20: {  	_ =	swait.ge [sflag:s21], $0x4F00  }
0x21: {  	[sflag:s21] =	ssyncset.done $0x0  }
0x22: {  	s4 =	simm.s32 $0x100;
	s0 =	simm.s32 $0x0;
	[sflag:s21] =	ssyncadd.s32 $0xFFFFB100  }
.LBB2_2:
0x23: {  	p2 =	sne.s32 s4, $0x7F00;
	[tilespmem:s0+$0x9E30] =	vst v0;
	s5 =	smov.u32 s4;
	s4 =	sadd.s32 $0x100, s4  }
.Ltmp0:
0x24: {  	[tilespmem:s0+$0x9E20] =	vst v0;
	(pc) =	sbr.rel @p2 .LBB2_2-.Ltmp0, $3  }
0x25: {  	[tilespmem:s0+$0x9E00] =	vst v0  }
0x26: {  	[tilespmem:s0+$0x9E10] =	vst v0;
	_ =	sdelay $0x1  }
0x27: {  	s0 =	sshra.s32 s5, $0x2  }
0x28: {  	[tilespmem:s0+$0x9E30] =	vst v0  }
0x29: {  	[tilespmem:s0+$0x9E20] =	vst v0  }
0x2a: {  	[tilespmem:s0+$0x9E00] =	vst v0  }
0x2b: {  	[tilespmem:s0+$0x9E10] =	vst v0  }
0x2c: {  	[spmem:s7] =	stream.linear.scatter [tilespmem:s23], [sflag:$0x3], $0x2000, $0x38;
	[tilespmem:$0x1A9A0] =	vst v63  }
0x2d: {  	_ =	swait.ge [sflag:s21], $0x2000  }
0x2e: {  	[sflag:s21] =	ssyncset.done $0x0  }
0x2f: {  	s10 =	rddreg [dreg:$0x7];
	[sflag:s21] =	ssyncadd.s32 $0xFFFFE000  }
0x30: {  	[spmem:s10] =	stream.linear.scatter [tilespmem:s23], [sflag:$0x3], $0x2000, $0x38;
	[tilespmem:$0x1A9A0] =	vst v63  }
0x31: {  	_ =	swait.ge [sflag:s21], $0x2000  }
0x32: {  	[sflag:s21] =	ssyncset.done $0x0  }
0x33: {  	s11 =	rddreg [dreg:$0x8];
	[sflag:s21] =	ssyncadd.s32 $0xFFFFE000  }
0x34: {  	[spmem:s11] =	stream.linear.scatter [tilespmem:s23], [sflag:$0x3], $0x2000, $0x38;
	[tilespmem:$0x1A9A0] =	vst v63  }
0x35: {  	_ =	swait.ge [sflag:s21], $0x2000  }
0x36: {  	[sflag:s21] =	ssyncset.done $0x0  }
0x37: {  	s22 =	rddreg [dreg:$0x9];
	[sflag:s21] =	ssyncadd.s32 $0xFFFFE000  }
0x38: {  	[spmem:s22] =	stream.linear.scatter [tilespmem:s23], [sflag:$0x3], $0x2000, $0x38;
	[tilespmem:$0x1A9A0] =	vst v63  }
0x39: {  	_ =	swait.ge [sflag:s21], $0x2000  }
0x3a: {  	[sflag:s21] =	ssyncset.done $0x0  }
0x3b: {  	s31 =	rddreg [dreg:$0xa];
	[sflag:s21] =	ssyncadd.s32 $0xFFFFE000  }
0x3c: {  	[spmem:s31] =	stream.linear.scatter [tilespmem:s23], [sflag:$0x3], $0x1C80, $0x38;
	[tilespmem:$0x1A9A0] =	vst v63  }
0x3d: {  	_ =	swait.ge [sflag:s21], $0x1C80  }
0x3e: {  	[sflag:s21] =	ssyncset.done $0x0  }
0x3f: {  	s0 =	simm.s32 $0x40;
	s4 =	simm.s32 $0x0;
	[sflag:s21] =	ssyncadd.s32 $0xFFFFE380  }
.LBB2_4:
0x40: {  	p2 =	sne.s32 s0, $0x1FC0;
	[tilespmem:s4+$0x17A80] =	vst v0;
	s4 =	smov.u32 s0;
	s0 =	sadd.s32 $0x40, s0  }
.Ltmp1:
0x41: {  	(pc) =	sbr.rel @p2 .LBB2_4-.Ltmp1, $2  }
0x42: {  	_ =	sdelay $0x2  }
0x43: {  	s4 =	sshra.s32 s4, $0x2  }
0x44: {  	[tilespmem:s4+$0x17A80] =	vst v0  }
0x45: {  	[spmem:s12] =	stream.linear.scatter [tilespmem:s24], [sflag:$0x3], $0x800, $0x38;
	[tilespmem:$0x1A9A0] =	vst v63  }
0x46: {  	_ =	swait.ge [sflag:s21], $0x800  }
0x47: {  	[sflag:s21] =	ssyncset.done $0x0  }
0x48: {  	[sflag:s21] =	ssyncadd.s32 $0xFFFFF800  }
0x49: {  	[spmem:s13] =	stream.linear.scatter [tilespmem:s24], [sflag:$0x3], $0x800, $0x38;
	[tilespmem:$0x1A9A0] =	vst v63  }
0x4a: {  	_ =	swait.ge [sflag:s21], $0x800  }
0x4b: {  	[sflag:s21] =	ssyncset.done $0x0  }
0x4c: {  	[sflag:s21] =	ssyncadd.s32 $0xFFFFF800  }
0x4d: {  	[spmem:s14] =	stream.linear.scatter [tilespmem:s24], [sflag:$0x3], $0x800, $0x38;
	[tilespmem:$0x1A9A0] =	vst v63  }
0x4e: {  	_ =	swait.ge [sflag:s21], $0x800  }
0x4f: {  	[sflag:s21] =	ssyncset.done $0x0  }
0x50: {  	[sflag:s21] =	ssyncadd.s32 $0xFFFFF800  }
0x51: {  	[spmem:s15] =	stream.linear.scatter [tilespmem:s24], [sflag:$0x3], $0x800, $0x38;
	[tilespmem:$0x1A9A0] =	vst v63  }
0x52: {  	_ =	swait.ge [sflag:s21], $0x800  }
0x53: {  	[sflag:s21] =	ssyncset.done $0x0  }
0x54: {  	[sflag:s21] =	ssyncadd.s32 $0xFFFFF800  }
0x55: {  	[spmem:s16] =	stream.linear.scatter [tilespmem:s24], [sflag:$0x3], $0x720, $0x38;
	[tilespmem:$0x1A9A0] =	vst v63  }
0x56: {  	_ =	swait.ge [sflag:s21], $0x720  }
0x57: {  	[sflag:s21] =	ssyncset.done $0x0  }
0x58: {  	s0 =	simm.s32 $0x40;
	s4 =	simm.s32 $0x0;
	[sflag:s21] =	ssyncadd.s32 $0xFFFFF8E0  }
.LBB2_6:
0x59: {  	p2 =	sne.s32 s0, $0x1FC0;
	[tilespmem:s4+$0x17A80] =	vst v1;
	s4 =	smov.u32 s0;
	s0 =	sadd.s32 $0x40, s0  }
.Ltmp2:
0x5a: {  	(pc) =	sbr.rel @p2 .LBB2_6-.Ltmp2, $2  }
0x5b: {  	_ =	sdelay $0x2  }
0x5c: {  	s4 =	sshra.s32 s4, $0x2  }
0x5d: {  	[tilespmem:s4+$0x17A80] =	vst v1  }
0x5e: {  	s0 =	simm.s32 $0x0;
	[bflag:$0x0] =	sbarrier.arrive $0xFFFF  }
0x5f: {  	[tilespmem:s23], [sflag:$0x1] =	stream.indirect.gather [hbm4b:s17+s25], $0x40, s0, s25, $0xb8;
	[tilespmem:$0x1A9A0] =	vst v63  }
0x60: {  	_ = 	snop  }
0x61: {  	[tilespmem:s26], [sflag:$0x2] =	stream.indirect.gather [hbm4b:s17+s25], $0x40, s25, s25, $0xb8;
	[tilespmem:$0x1A9A0] =	vst v63  }
0x62: {  	_ =	swait.ge [sflag:s28], $0x2000  }
0x63: {  	[sflag:s28] =	ssyncset.done $0x0  }
0x64: {  	s4 =	simm.s32 $0x4F00;
	[sflag:s28] =	ssyncadd.s32 $0xFFFFE000  }
0x65: {  	[spmem:s2] =	stream.indirect.scatter.add.f32 [tilespmem:s23], [sflag:$0x4], $0x40, s4, s25, $0xb8;
	[tilespmem:$0x1A9A0] =	vst v63  }
0x66: {  	_ =	swait.ge [sflag:s29], $0x2000  }
0x67: {  	[sflag:s29] =	ssyncset.done $0x0  }
0x68: {  	s10 =	simm.s32 $0x100;
	[sflag:s29] =	ssyncadd.s32 $0xFFFFE000  }
0x69: {  	[tilespmem:s23], [sflag:$0x1] =	stream.indirect.gather [hbm4b:s17+s25], $0x40, s10, s25, $0xb8;
	[tilespmem:$0x1A9A0] =	vst v63  }
0x6a: {  	s22 =	simm.s32 @!p0 $0x17A80;
	s31 =	simm.s32 @!p0 $0x4;
	s0 =	simm.s32 @!p0 $0x80  }
0x6b: {  	[spmem:s3] =	stream.indirect.scatter.add.f32 @!p0 [tilespmem:s22], [sflag:$0x4], $0x10, s4, s0, $0xb8;
	[tilespmem:$0x1A9A0] =	vst v63  }
0x6c: {  	_ =	swait.ge @!p0 [sflag:s31], $0x800  }
0x6d: {  	[sflag:s31] =	ssyncset.done @!p0 $0x0  }
0x6e: {  	[sflag:s31] =	ssyncadd.s32 @!p0 $0xFFFFF800  }
0x6f: {  	_ =	swait.ge [sflag:s30], $0x2000  }
0x70: {  	[sflag:s30] =	ssyncset.done $0x0  }
0x71: {  	s8 =	simm.s32 $0x4F80;
	[sflag:s30] =	ssyncadd.s32 $0xFFFFE000  }
0x72: {  	[spmem:s2] =	stream.indirect.scatter.add.f32 [tilespmem:s26], [sflag:$0x4], $0x40, s8, s25, $0xb8;
	[tilespmem:$0x1A9A0] =	vst v63  }
0x73: {  	_ =	swait.ge [sflag:s29], $0x2000  }
0x74: {  	[sflag:s29] =	ssyncset.done $0x0  }
0x75: {  	s11 =	simm.s32 $0x180;
	[sflag:s29] =	ssyncadd.s32 $0xFFFFE000  }
0x76: {  	[tilespmem:s26], [sflag:$0x2] =	stream.indirect.gather [hbm4b:s17+s25], $0x40, s11, s25, $0xb8;
	[tilespmem:$0x1A9A0] =	vst v63  }
0x77: {  	s6 =	simm.s32 @!p1 $0x17A80;
	s5 =	simm.s32 @!p1 $0x3;
	s4 =	simm.s32 @!p1 $0x80  }
0x78: {  	[spmem:s3] =	stream.indirect.scatter.add.f32 @!p1 [tilespmem:s6], [sflag:$0x3], $0x10, s8, s4, $0xb8;
	[tilespmem:$0x1A9A0] =	vst v63  }
0x79: {  	_ =	swait.ge @!p1 [sflag:s5], $0x800  }
0x7a: {  	s8 =	simm.s32 $0x400;
	[sflag:s5] =	ssyncset.done @!p1 $0x0  }
.LBB2_8:
0x7b: {  	[sflag:s5] =	ssyncadd.s32 @!p1 $0xFFFFF800;
	s9 =	smov.u32 s8;
	s8 =	sadd.s32 $0x400, s8  }
0x7c: {  	p2 =	sne.s32 s8, $0x13800  }
0x7d: {  	_ =	swait.ge [sflag:s28], $0x2000  }
0x7e: {  	s9 =	sshra.s32 s9, $0x2;
	[sflag:s28] =	ssyncset.done $0x0  }
0x7f: {  	s10 =	sadd.s32 $0x4F00, s9;
	[sflag:s28] =	ssyncadd.s32 $0xFFFFE000  }
0x80: {  	[spmem:s2] =	stream.indirect.scatter.add.f32 [tilespmem:s23], [sflag:$0x4], $0x40, s10, s25, $0xb8;
	[tilespmem:$0x1A9A0] =	vst v63  }
0x81: {  	_ =	swait.ge [sflag:s29], $0x2000  }
0x82: {  	[sflag:s29] =	ssyncset.done $0x0  }
0x83: {  	s11 =	sadd.s32 $0x100, s9;
	[sflag:s29] =	ssyncadd.s32 $0xFFFFE000  }
0x84: {  	[tilespmem:s23], [sflag:$0x1] =	stream.indirect.gather [hbm4b:s17+s25], $0x40, s11, s25, $0xb8;
	[tilespmem:$0x1A9A0] =	vst v63  }
0x85: {  	_ = 	snop  }
0x86: {  	[spmem:s3] =	stream.indirect.scatter.add.f32 @!p0 [tilespmem:s22], [sflag:$0x4], $0x10, s10, s0, $0xb8;
	[tilespmem:$0x1A9A0] =	vst v63  }
0x87: {  	_ =	swait.ge @!p0 [sflag:s31], $0x800  }
0x88: {  	[sflag:s31] =	ssyncset.done @!p0 $0x0  }
0x89: {  	[sflag:s31] =	ssyncadd.s32 @!p0 $0xFFFFF800  }
0x8a: {  	_ =	swait.ge [sflag:s30], $0x2000  }
0x8b: {  	[sflag:s30] =	ssyncset.done $0x0  }
0x8c: {  	s10 =	sadd.s32 $0x4F80, s9;
	[sflag:s30] =	ssyncadd.s32 $0xFFFFE000  }
0x8d: {  	[spmem:s2] =	stream.indirect.scatter.add.f32 [tilespmem:s26], [sflag:$0x4], $0x40, s10, s25, $0xb8;
	[tilespmem:$0x1A9A0] =	vst v63  }
0x8e: {  	_ =	swait.ge [sflag:s29], $0x2000  }
0x8f: {  	[sflag:s29] =	ssyncset.done $0x0  }
0x90: {  	s9 =	sadd.s32 $0x180, s9;
	[sflag:s29] =	ssyncadd.s32 $0xFFFFE000  }
0x91: {  	[tilespmem:s26], [sflag:$0x2] =	stream.indirect.gather [hbm4b:s17+s25], $0x40, s9, s25, $0xb8;
	[tilespmem:$0x1A9A0] =	vst v63  }
.Ltmp3:
0x92: {  	_ = 	snop;
	(pc) =	sbr.rel @p2 .LBB2_8-.Ltmp3, $4  }
0x93: {  	_ = 	snop  }
0x94: {  	[spmem:s3] =	stream.indirect.scatter.add.f32 @!p1 [tilespmem:s6], [sflag:$0x3], $0x10, s10, s4, $0xb8;
	[tilespmem:$0x1A9A0] =	vst v63  }
0x95: {  	_ =	swait.ge @!p1 [sflag:s5], $0x800  }
0x96: {  	[sflag:s5] =	ssyncset.done @!p1 $0x0  }
0x97: {  	[sflag:s5] =	ssyncadd.s32 @!p1 $0xFFFFF800  }
0x98: {  	_ =	swait.ge [sflag:s28], $0x2000  }
0x99: {  	[sflag:s28] =	ssyncset.done $0x0  }
0x9a: {  	s4 =	simm.s32 $0x9D00;
	[sflag:s28] =	ssyncadd.s32 $0xFFFFE000  }
0x9b: {  	[spmem:s2] =	stream.indirect.scatter.add.f32 [tilespmem:s23], [sflag:$0x3], $0x40, s4, s25, $0xb8;
	[tilespmem:$0x1A9A0] =	vst v63  }
0x9c: {  	_ =	swait.ge [sflag:s21], $0x2000  }
0x9d: {  	[sflag:s21] =	ssyncset.done $0x0  }
0x9e: {  	s4 =	simm.s32 @p0 $0x2;
	[sflag:s21] =	ssyncadd.s32 $0xFFFFE000  }
0x9f: {  	_ =	swait.ge @p0 [sflag:s4], $0x2000  }
0xa0: {  	s5 =	simm.s32 @p0 $0x9D80;
	[sflag:s4] =	ssyncset.done @p0 $0x0  }
0xa1: {  	s6 =	simm.s32 @p0 $0xBE00;
	[sflag:s4] =	ssyncadd.s32 @p0 $0xFFFFE000;
	s4 =	simm.s32 @p0 $0x80  }
0xa2: {  	[spmem:s2] =	stream.indirect.scatter.add.f32 @p0 [tilespmem:s6], [sflag:$0x3], $0x40, s5, s4, $0xb8;
	[tilespmem:$0x1A9A0] =	vst v63  }
0xa3: {  	s6 =	simm.s32 @p0 $0x3  }
0xa4: {  	_ =	swait.ge @p0 [sflag:s6], $0x2000  }
0xa5: {  	[sflag:s6] =	ssyncset.done @p0 $0x0  }
0xa6: {  	s8 =	simm.s32 @p0 $0x17A80;
	[sflag:s6] =	ssyncadd.s32 @p0 $0xFFFFE000  }
0xa7: {  	[spmem:s3] =	stream.indirect.scatter.add.f32 @p0 [tilespmem:s8], [sflag:$0x3], $0x10, s5, s4, $0xb8;
	[tilespmem:$0x1A9A0] =	vst v63  }
0xa8: {  	_ =	swait.ge @p0 [sflag:s6], $0x800  }
0xa9: {  	[sflag:s6] =	ssyncset.done @p0 $0x0  }
0xaa: {  	s4 =	simm.s32 @!p0 $0x9D00;
	[sflag:s6] =	ssyncadd.s32 @p0 $0xFFFFF800  }
0xab: {  	[spmem:s3] =	stream.indirect.scatter.add.f32 @!p0 [tilespmem:s22], [sflag:$0x3], $0x10, s4, s0, $0xb8;
	[tilespmem:$0x1A9A0] =	vst v63  }
0xac: {  	s4 =	simm.s32 @!p0 $0x3  }
0xad: {  	_ =	swait.ge @!p0 [sflag:s4], $0x800  }
0xae: {  	[sflag:s4] =	ssyncset.done @!p0 $0x0  }
0xaf: {  	s5 =	simm.s32 @!p0 $0x2;
	[sflag:s4] =	ssyncadd.s32 @!p0 $0xFFFFF800  }
0xb0: {  	_ =	swait.ge @!p0 [sflag:s5], $0x2000  }
0xb1: {  	[sflag:s5] =	ssyncset.done @!p0 $0x0  }
0xb2: {  	s6 =	simm.s32 @!p0 $0xBE00;
	[sflag:s5] =	ssyncadd.s32 @!p0 $0xFFFFE000;
	s5 =	simm.s32 @!p0 $0x9D80  }
0xb3: {  	[spmem:s2] =	stream.indirect.scatter.add.f32 @!p0 [tilespmem:s6], [sflag:$0x3], $0x40, s5, s0, $0xb8;
	[tilespmem:$0x1A9A0] =	vst v63  }
0xb4: {  	_ =	swait.ge @!p0 [sflag:s4], $0x2000  }
0xb5: {  	s11 =	stileid.u32;
	[sflag:s4] =	ssyncset.done @!p0 $0x0  }
0xb6: {  	s0 =	sshll.u32 s11, $0x6;
	[sflag:s4] =	ssyncadd.s32 @!p0 $0xFFFFE000  }
0xb7: {  	s22 =	sshrl.u32 s7, $0x3;
	s0 =	sor.u32 $0x1C03, s0;
	[bflag:$0x0] =	sbarrier.arrive $0xFFFF  }
0xb8: {  	[hbm:s18], [sflag:s0] =	dma.local [spmem:s22], $0x1390  }
0xb9: {  	s1 =	sadd.s32 $0x1, s1;
	_ =	swait.ge [sflag:s21], $0x1390  }
0xba: {  	p2 =	sne.s32 s1, s20;
	[sflag:s21] =	ssyncset.done $0x0  }
.Ltmp4:
0xbb: {  	s31 =	sshrl.u32 s12, $0x3;
	[sflag:s21] =	ssyncadd.s32 $0xFFFFEC70;
	(pc) =	sbr.rel @p2 .LBB2_1-.Ltmp4, $4  }
0xbc: {  	[hbm:s19], [sflag:s0] =	dma.local [spmem:s31], $0x4E4  }
0xbd: {  	_ =	swait.ge [sflag:s21], $0x4E4  }
0xbe: {  	[sflag:s21] =	ssyncset.done $0x0  }
0xbf: {  	[sflag:s21] =	ssyncadd.s32 $0xFFFFFB1C  }
0xc0: {  	_ =	sfence.sel $0x180000  }
0xc1: {  	[bflag:$0x0] =	sbarrier.arrive $0xFFFF  }
0xc2: {  	_ =	strace $0x90000047  }
0xc3: {  	s0 =	stileid.u32;
	[bflag:$0x2] =	sbarrier.arrive $0xFFFF  }
0xc4: {  	p0 =	sne.s32 s0, $0x0;
	s0 =	rddreg [dreg:$0x4]  }
0xc5: {  	s0 =	sadd.s32 @!p0 $0x100000, s0  }
0xc6: {  	[sflag:s0] =	ssyncadd.tile.s32 @!p0 $0x1;
	_ =	shalt  }
.Lfunc_end2:
_tile_overlayer_lowered:
.L_overlay_start_2:
0xc7: {  	(tag) =	ssettag $0x2  }
0xc8: {  	s0 =	rddreg [dreg:$0x0];
	s2 =	stileid.u32  }
0xc9: {  	s1 =	rddreg [dreg:$0x1];
	p0 =	sne.s32 s2, $0x0  }
0xca: {  	s3 =	rddreg [dreg:$0x2];
	[bflag:$0x3] =	sbarrier.arrive $0xFFFF;
	s2 =	simm.s32 @!p0 $0x1C03  }
0xcb: {  	[timem:s3], [sflag:s2] =	dma.local @!p0 [hbm:s0], s1  }
0xcc: {  	s0 =	simm.s32 @!p0 $0x3  }
0xcd: {  	_ =	swait.ge @!p0 [sflag:s0], s1  }
0xce: {  	s1 =	ssub.s32 @!p0 $0x0, s1;
	[sflag:s0] =	ssyncset.done @!p0 $0x0  }
0xcf: {  	[sflag:s0] =	ssyncadd.s32 @!p0 s1  }
0xd0: {  	[bflag:$0x3] =	sbarrier.arrive $0xFFFF  }
0xd1: {  	_ =	shalt  }

// kernel: kernel.9.cloned.1.call-start
scs
__scs_entry_jumppad:
0x0: {  	(pc) =	sbr.rel $0x88, $3  }
0x1: {  	(tag) =	ssettag $0x0;
	lr =	simm.s32 $0x1  }
0x2: {  	[smem:$0x3F9A] =	sst lr;
	_ =	strace $0xD0000000  }
0x3: {  	_ = 	snop  }
0x4: {  	_ = 	snop  }
0x5: {  	_ = 	snop  }
0x6: {  	_ = 	snop  }
0x7: {  	_ = 	snop  }
__scs_overlays_trampoline_lowered:
0x8: {  	[smem:$0x3FA9] =	sst s0  }
0x9: {  	[smem:$0x3FAA] =	sst s1  }
0xa: {  	[smem:$0x3FAB] =	sst s2  }
0xb: {  	[smem:$0x3FAC] =	sst s3  }
0xc: {  	[smem:$0x3FAD] =	sst s4  }
0xd: {  	[smem:$0x3FAE] =	sst s5  }
0xe: {  	[smem:$0x3FAF] =	sst s6  }
0xf: {  	[smem:$0x3FB0] =	sst s7  }
0x10: {  	[smem:$0x3FB1] =	sst s8  }
0x11: {  	[smem:$0x3FB2] =	sst s9;
	s0 =	simm.s32 @!p0 $0x0  }
0x12: {  	s1 =	sld [smem:$0x3F98];
	s0 =	simm.s32 @p0 $0x1  }
0x13: {  	[smem:$0x3FB3] =	sst s0;
	s0 =	simm.s32 @!p1 $0x0  }
0x14: {  	s2 =	sld [smem:$0x3F97];
	s0 =	simm.s32 @p1 $0x1  }
0x15: {  	[smem:$0x3FB4] =	sst s0;
	s0 =	simm.s32 @!p2 $0x0  }
0x16: {  	s3 =	sld [smem:$0x3FDB];
	s0 =	simm.s32 @p2 $0x1  }
0x17: {  	s4 =	simm.s32 $0x1BF5;
	[smem:$0x3FB6] =	sst s0  }
0x18: {  	s0 =	sld [smem:$0x3F99];
	_ =	swait.ge [sflag:s4], $0x0  }
0x19: {  	s7 =	sld [smem:$0x3F9A]  }
0x1a: {  	s8 =	sadd.s32 $0xFFFFE003, lr  }
0x1b: {  	s9 =	sadd.s32 $0xFFFFFEF7, lr;
	s5 =	simm.s32 $0xFFFFFFFF;
	p2 =	slt.u32 s8, $0xFFFFF086  }
0x1c: {  	p1 =	slt.u32 s9, $0xF7A;
	s5 =	simm.s32 @!p2 $0x0  }
0x1d: {  	s5 =	simm.s32 @p1 $0x1;
	p0 =	seq.s32 s7, s2  }
0x1e: {  	s7 =	smul.u32 @!p0 $0xF7A, s2;
	p2 =	seq.s32 @!p0 s5, $0x0  }
0x1f: {  	s9 =	smul.u32 $0xF7A, s1;
	s8 =	simm.s32 @!p0 $0x1BF5;
	p2 =	por !p2, p0  }
0x20: {  	[sflag:s8] =	ssyncset.s32 @!p0 $0xFFFFF086;
	s6 =	sadd.s32 @!p0 s3, s7;
	s7 =	simm.s32 @!p0 $0x108  }
0x21: {  	s3 =	sadd.s32 s3, s9;
	s6 =	sadd.s32 @!p0 $0x88, s6;
	s7 =	simm.s32 @p2 $0x1082  }
0x22: {  	[simem:s7], [sflag:s8] =	dma.local @!p0 [hbm:s6], $0xF7A  }
0x23: {  	s9 =	sor.u32 $0xD0000000, s2;
	s6 =	simm.s32 $0x108;
	_ =	swait.ge @!p0 [sflag:s8], $0x0  }
0x24: {  	s3 =	sadd.s32 $0x88, s3;
	s6 =	simm.s32 @!p1 $0x1082;
	[sflag:s4] =	ssyncset.s32 $0xFFFFF086  }
0x25: {  	[simem:s6], [sflag:s4] =	dma.local [hbm:s3], $0xF7A  }
0x26: {  	[smem:$0x3F9A] =	sst s1;
	(tag) =	ssettag s2;
	_ =	strace s9  }
0x27: {  	s1 =	sld [smem:$0x3FAA]  }
0x28: {  	s2 =	sld [smem:$0x3FAB]  }
0x29: {  	s4 =	sld [smem:$0x3FAD]  }
0x2a: {  	p0 =	seq.s32 s5, $0x0;
	s5 =	sld [smem:$0x3FAE]  }
0x2b: {  	s6 =	sld [smem:$0x3FAF]  }
0x2c: {  	s7 =	sld [smem:$0x3FB0]  }
0x2d: {  	s3 =	simm.s32 $0x108;
	s8 =	sld [smem:$0x3FB1]  }
0x2e: {  	s3 =	simm.s32 @!p0 $0x1082;
	s9 =	sld [smem:$0x3FB2]  }
0x2f: {  	lr =	sadd.s32 s0, s3;
	s0 =	sld [smem:$0x3FA9]  }
0x30: {  	s3 =	sld [smem:$0x3FAC]  }
0x31: {  	[smem:$0x3FB5] =	sst s10  }
0x32: {  	s10 =	sld [smem:$0x3FB3];
	_ =	sdelay $0x3  }
0x33: {  	p0 =	seq.s32 s10, $0x1;
	s10 =	sld [smem:$0x3FB5];
	_ =	sdelay $0x3  }
0x34: {  	[smem:$0x3FB5] =	sst s10  }
0x35: {  	s10 =	sld [smem:$0x3FB4];
	_ =	sdelay $0x3  }
0x36: {  	p1 =	seq.s32 s10, $0x1;
	s10 =	sld [smem:$0x3FB5];
	_ =	sdelay $0x3  }
0x37: {  	[smem:$0x3FB5] =	sst s10  }
0x38: {  	s10 =	sld [smem:$0x3FB6]  }
0x39: {  	_ = 	snop;
	(pc) =	sbr.ind lr, $3  }
0x3a: {  	_ = 	snop  }
0x3b: {  	_ = 	snop  }
0x3c: {  	p2 =	seq.s32 s10, $0x1;
	s10 =	sld [smem:$0x3FB5]  }
0x3d: {  	_ =	shalt  }
0x3e: {  	_ =	shalt  }
0x3f: {  	_ =	shalt  }
0x40: {  	_ =	shalt  }
0x41: {  	_ =	shalt  }
0x42: {  	_ =	shalt  }
0x43: {  	_ =	shalt  }
0x44: {  	_ =	shalt  }
0x45: {  	_ =	shalt  }
0x46: {  	_ =	shalt  }
0x47: {  	_ =	shalt  }
0x48: {  	_ =	shalt  }
0x49: {  	_ =	shalt  }
0x4a: {  	_ =	shalt  }
0x4b: {  	_ =	shalt  }
0x4c: {  	_ =	shalt  }
0x4d: {  	_ =	shalt  }
0x4e: {  	_ =	shalt  }
0x4f: {  	_ =	shalt  }
0x50: {  	_ =	shalt  }
0x51: {  	_ =	shalt  }
0x52: {  	_ =	shalt  }
0x53: {  	_ =	shalt  }
0x54: {  	_ =	shalt  }
0x55: {  	_ =	shalt  }
0x56: {  	_ =	shalt  }
0x57: {  	_ =	shalt  }
0x58: {  	_ =	shalt  }
0x59: {  	_ =	shalt  }
0x5a: {  	_ =	shalt  }
0x5b: {  	_ =	shalt  }
0x5c: {  	_ =	shalt  }
0x5d: {  	_ =	shalt  }
0x5e: {  	_ =	shalt  }
0x5f: {  	_ =	shalt  }
0x60: {  	_ =	shalt  }
0x61: {  	_ =	shalt  }
0x62: {  	_ =	shalt  }
0x63: {  	_ =	shalt  }
0x64: {  	_ =	shalt  }
0x65: {  	_ =	shalt  }
0x66: {  	_ =	shalt  }
0x67: {  	_ =	shalt  }
0x68: {  	_ =	shalt  }
0x69: {  	_ =	shalt  }
0x6a: {  	_ =	shalt  }
0x6b: {  	_ =	shalt  }
0x6c: {  	_ =	shalt  }
0x6d: {  	_ =	shalt  }
0x6e: {  	_ =	shalt  }
0x6f: {  	_ =	shalt  }
0x70: {  	_ =	shalt  }
0x71: {  	_ =	shalt  }
0x72: {  	_ =	shalt  }
0x73: {  	_ =	shalt  }
0x74: {  	_ =	shalt  }
0x75: {  	_ =	shalt  }
0x76: {  	_ =	shalt  }
0x77: {  	_ =	shalt  }
0x78: {  	_ =	shalt  }
0x79: {  	_ =	shalt  }
0x7a: {  	_ =	shalt  }
0x7b: {  	_ =	shalt  }
0x7c: {  	_ =	shalt  }
0x7d: {  	_ =	shalt  }
0x7e: {  	_ =	shalt  }
0x7f: {  	_ =	shalt  }
0x80: {  	_ =	shalt  }
0x81: {  	_ =	shalt  }
0x82: {  	_ =	shalt  }
0x83: {  	_ =	shalt  }
0x84: {  	_ =	shalt  }
0x85: {  	_ =	shalt  }
0x86: {  	_ =	shalt  }
0x87: {  	_ =	shalt  }
.Lfunc_end0:
.L_simem_size_0:
called_computation.1_lowered:
.L_overlay_start_0:
0x88: {  	s2 =	sld [smem:$0x3FD9]  }
0x89: {  	s3 =	sld [smem:$0x3FFE];
	_ =	sdelay $0x1  }
0x8a: {  	s1 =	srdreg.scid  }
0x8b: {  	s0 =	sand.u32 $0x1, s1  }
0x8c: {  	s17 =	sshll.u32 s0, $0xA;
	s2 =	sadd.s32 s3, s2  }
0x8d: {  	s2 =	sadd.s32 s2, s17  }
0x8e: {  	[smem:$0x3FC1] =	sst s2  }
0x8f: {  	_ = 	snop  }
0x90: {  	s2 =	sld [smem:$0x3FD0];
	(tm) =	ssettm $0x1  }
0x91: {  	s18 =	sld [smem:$0x3FFB];
	_ =	sdelay $0x3  }
0x92: {  	_ =	strace s18  }
0x93: {  	s3 =	sld [smem:$0x3FFC];
	_ =	sdelay $0x3  }
0x94: {  	_ =	strace s3  }
0x95: {  	s3 =	sld [smem:$0x3FFD];
	_ =	sdelay $0x3  }
0x96: {  	_ =	strace s3  }
0x97: {  	_ =	strace $0x8FFFFFFF  }
0x98: {  	s19 =	sld [smem:$0x3FDB];
	_ =	sdelay $0x1  }
0x99: {  	s4 =	simm.s32 $_scs_section_size  }
0x9a: {  	s5 =	simm.s32 $_size__tile_overlayer_lowered;
	s6 =	simm.s32 $_tile_overlayer_lowered  }
0x9b: {  	s22 =	simm.s32 $0x1BFF;
	s21 =	sshll.u32 s6, $0x1;
	s3 =	sadd.s32 s4, s19  }
0x9c: {  	s7 =	simm.s32 $0x0;
	s20 =	sshll.u32 s5, $0x1;
	s5 =	sadd.s32 s21, s3  }
0x9d: {  	[timem:s7], [sflag:s22] =	dma.local [hbm:s5], s20  }
0x9e: {  	_ =	swait.ge [sflag:s22], s20  }
0x9f: {  	s4 =	ssub.s32 $0x0, s20;
	[sflag:s22] =	ssyncset.done $0x0  }
0xa0: {  	[sflag:s22] =	ssyncadd.s32 s4;
	_ =	sdelay $0x1  }
0xa1: {  	s23 =	simm.s32 $0x1B8B  }
0xa2: {  	_ =	swait.ge [sflag:s23], $0x1  }
0xa3: {  	[sflag:s23] =	ssyncset.done $0x0  }
0xa4: {  	s25 =	simm.s32 $0x1B8E;
	s24 =	sld [smem:$0x3FFE];
	[sflag:s23] =	ssyncadd.s32 $0xFFFFFFFF  }
0xa5: {  	s26 =	simm.s32 $execute0_lowered;
	[smem:$0x3FD2] =	sst s25  }
0xa6: {  	s5 =	sshll.u32 s26, $0x1;
	_ =	strace $0x80000049;
	[dreg:$0x1] =	wrdreg $0xFFFFFFFF  }
0xa7: {  	s28 =	simm.s32 $_size_execute0_lowered;
	s3 =	sadd.s32 s3, s5;
	[dreg:$0x0] =	wrdreg $0x0  }
0xa8: {  	s5 =	sshll.u32 s28, $0x1;
	[dreg:$0x2] =	wrdreg s3  }
0xa9: {  	[dreg:$0x3] =	wrdreg s5  }
0xaa: {  	[dreg:$0x4] =	wrdreg $0xC0  }
0xab: {  	_ =	task [dreg:s7], $0x5FFFF  }
0xac: {  	[dreg:$0x1] =	wrdreg $0xFFFFFFFF  }
0xad: {  	[dreg:$0x0] =	wrdreg $0x60  }
0xae: {  	[dreg:$0x2] =	wrdreg s2  }
0xaf: {  	[dreg:$0x3] =	wrdreg s24  }
0xb0: {  	[dreg:$0x4] =	wrdreg $0xDE000  }
0xb1: {  	[dreg:$0x5] =	wrdreg $0x9  }
0xb2: {  	_ =	task.clear_ibuf [dreg:s7], $0x6FFFF;
	_ =	strace $0x90000049  }
0xb3: {  	s29 =	simm.s32 $0x9;
	_ =	strace $0x8000004B  }
0xb4: {  	_ =	swait.ge [sflag:s29], $0x1  }
0xb5: {  	[sflag:s29] =	ssyncadd.s32 $0xFFFFFFFF  }
0xb6: {  	_ =	strace $0x9000004B  }
0xb7: {  	_ =	sfence  }
0xb8: {  	s30 =	sld [smem:$0x0];
	_ =	sdelay $0x2  }
0xb9: {  	s31 =	sshll.u32 s1, $0xD;
	s1 =	sshrl.u32 s1, $0x2  }
0xba: {  	s3 =	sand.u32 $0x4000, s31;
	s1 =	sadd.s32 s1, s30  }
0xbb: {  	s0 =	sor.u32 s3, s0;
	s1 =	sshll.u32 s1, $0x11  }
0xbc: {  	s0 =	sor.u32 s1, s0  }
0xbd: {  	s0 =	sadd.s32 $0x8F2B, s0  }
0xbe: {  	[sflag:s0] =	ssyncadd.remote.s32 $0x1  }
0xbf: {  	_ =	sfence.sel $0xFFFF  }
0xc0: {  	[dreg:$0x0] =	wrdreg $0xFFFFFFFF;
	(pc) =	sbr.abs _section_cstart, $3  }
0xc1: {  	[dreg:$0x1] =	wrdreg $0xFFFFFFFF  }
0xc2: {  	_ =	task.clear_ibuf [dreg:s7], $0x2FFFF;
	_ =	strace $0x9FFFFFFF  }
0xc3: {  	(tm) =	ssettm $0x7FFFFFFF  }
tec
execute0_lowered:
.L_overlay_start_1:
0x0: {  	(tag) =	ssettag $0x1  }
0x1: {  	s11 =	rddreg [dreg:$0x0]  }
0x2: {  	s4 =	rddreg [dreg:$0x1];
	s0 =	stileid.u32  }
0x3: {  	s1 =	srdreg.scid;
	s2 =	rddreg [dreg:$0x2]  }
0x4: {  	s3 =	simm.s32 $0x0;
	s15 =	simm.s32 $0x4F00;
	s16 =	simm.s32 $0x9E00  }
0x5: {  	s17 =	simm.s32 $0x80;
	s18 =	simm.s32 $0xBE00;
	s19 =	simm.s32 $0x1  }
0x6: {  	s20 =	simm.s32 $0x2;
	s21 =	simm.s32 $0x9D00;
	s7 =	smul.u32 $0x9C80, s0  }
0x7: {  	s22 =	simm.s32 $0x9D80;
	s23 =	simm.s32 $0x0;
	s8 =	smul.u32 $0x9E0, s0  }
0x8: {  	s6 =	sand.u32 $0x1, s1;
	[smem:$0x7FF] =	sst s3;
	s10 =	smul.u32 $0x27200, s0  }
0x9: {  	s1 =	rddreg [dreg:$0x3];
	s5 =	smul.u32 $0x9C800, s6;
	_ =	strace $0x8000004A  }
0xa: {  	s9 =	ssub.s32 $0x2, s6;
	s14 =	smul.u32 $0x13880, s6;
	s8 =	sadd.s32 s8, s4  }
0xb: {  	s30 =	sshrl.u32 s9, $0x1;
	s31 =	sshrl.u32 s10, $0x2;
	s6 =	sadd.s32 s7, s2  }
0xc: {  	s5 =	sadd.s32 s7, s5;
	s13 =	ssub.s32 s9, s30;
	s10 =	sadd.s32 s31, s2  }
0xd: {  	s11 =	sadd.s32 s11, s14;
	s14 =	simm.s32 $0x3;
	s5 =	sshrl.u32 s5, $0x3  }
0xe: {  	s7 =	sadd.s32 $0x2000, s10;
	s9 =	sadd.s32 $0x6000, s10;
	s13 =	smax.u32 s13, $0x1  }
0xf: {  	s12 =	sadd.s32 s5, s4;
	s4 =	sadd.s32 $0xB200, s8;
	s5 =	sadd.s32 $0x1400, s8  }
0x10: {  	v0 =	vimm.f32 $0.0e+00;
	s8 =	sadd.s32 $0x4000, s10;
	s10 =	sadd.s32 $0x8000, s10;
	s12 =	sadd.s32 $0x15000, s12  }
.LBB2_1:
0x11: {  	[tilespmem:s3], [sflag:$0x3] =	stream.linear.gather [hbm4b:s4+s3], $0x4F00, $0x38;
	[tilespmem:$0x17A80] =	vst v63  }
0x12: {  	_ =	swait.ge [sflag:s14], $0x4F00  }
0x13: {  	[sflag:s14] =	ssyncset.done $0x0  }
0x14: {  	[sflag:s14] =	ssyncadd.s32 $0xFFFFB100  }
0x15: {  	[tilespmem:s15], [sflag:$0x3] =	stream.linear.gather [hbm4b:s5+s3], $0x4F00, $0x38;
	[tilespmem:$0x17A80] =	vst v63  }
0x16: {  	_ =	swait.ge [sflag:s14], $0x4F00  }
0x17: {  	[sflag:s14] =	ssyncset.done $0x0  }
0x18: {  	s25 =	simm.s32 $0x100;
	s24 =	simm.s32 $0x0;
	[sflag:s14] =	ssyncadd.s32 $0xFFFFB100  }
.LBB2_2:
0x19: {  	p0 =	sne.s32 s25, $0x7F00;
	[tilespmem:s24+$0x9E30] =	vst v0;
	s26 =	smov.u32 s25;
	s25 =	sadd.s32 $0x100, s25  }
.Ltmp0:
0x1a: {  	[tilespmem:s24+$0x9E20] =	vst v0;
	(pc) =	sbr.rel @p0 .LBB2_2-.Ltmp0, $3  }
0x1b: {  	[tilespmem:s24+$0x9E00] =	vst v0  }
0x1c: {  	[tilespmem:s24+$0x9E10] =	vst v0;
	_ =	sdelay $0x1  }
0x1d: {  	s24 =	sshra.s32 s26, $0x2  }
0x1e: {  	[tilespmem:s24+$0x9E30] =	vst v0  }
0x1f: {  	[tilespmem:s24+$0x9E20] =	vst v0  }
0x20: {  	[tilespmem:s24+$0x9E00] =	vst v0  }
0x21: {  	[tilespmem:s24+$0x9E10] =	vst v0  }
0x22: {  	[spmem:s6] =	stream.linear.scatter [tilespmem:s16], [sflag:$0x3], $0x2000, $0x38;
	[tilespmem:$0x17A80] =	vst v63  }
0x23: {  	_ =	swait.ge [sflag:s14], $0x2000  }
0x24: {  	[sflag:s14] =	ssyncset.done $0x0  }
0x25: {  	[sflag:s14] =	ssyncadd.s32 $0xFFFFE000  }
0x26: {  	[spmem:s7] =	stream.linear.scatter [tilespmem:s16], [sflag:$0x3], $0x2000, $0x38;
	[tilespmem:$0x17A80] =	vst v63  }
0x27: {  	_ =	swait.ge [sflag:s14], $0x2000  }
0x28: {  	[sflag:s14] =	ssyncset.done $0x0  }
0x29: {  	[sflag:s14] =	ssyncadd.s32 $0xFFFFE000  }
0x2a: {  	[spmem:s8] =	stream.linear.scatter [tilespmem:s16], [sflag:$0x3], $0x2000, $0x38;
	[tilespmem:$0x17A80] =	vst v63  }
0x2b: {  	_ =	swait.ge [sflag:s14], $0x2000  }
0x2c: {  	[sflag:s14] =	ssyncset.done $0x0  }
0x2d: {  	[sflag:s14] =	ssyncadd.s32 $0xFFFFE000  }
0x2e: {  	[spmem:s9] =	stream.linear.scatter [tilespmem:s16], [sflag:$0x3], $0x2000, $0x38;
	[tilespmem:$0x17A80] =	vst v63  }
0x2f: {  	_ =	swait.ge [sflag:s14], $0x2000  }
0x30: {  	[sflag:s14] =	ssyncset.done $0x0  }
0x31: {  	[sflag:s14] =	ssyncadd.s32 $0xFFFFE000  }
0x32: {  	[spmem:s10] =	stream.linear.scatter [tilespmem:s16], [sflag:$0x3], $0x1C80, $0x38;
	[tilespmem:$0x17A80] =	vst v63  }
0x33: {  	_ =	swait.ge [sflag:s14], $0x1C80  }
0x34: {  	[sflag:s14] =	ssyncset.done $0x0  }
0x35: {  	[sflag:s14] =	ssyncadd.s32 $0xFFFFE380  }
0x36: {  	s28 =	simm.s32 $0x0;
	[bflag:$0x0] =	sbarrier.arrive $0xFFFF  }
0x37: {  	[tilespmem:s16], [sflag:$0x1] =	stream.indirect.gather [hbm4b:s11+s17], $0x40, s28, s17, $0xb8;
	[tilespmem:$0x17A80] =	vst v63  }
0x38: {  	_ = 	snop  }
0x39: {  	[tilespmem:s18], [sflag:$0x2] =	stream.indirect.gather [hbm4b:s11+s17], $0x40, s17, s17, $0xb8;
	[tilespmem:$0x17A80] =	vst v63  }
0x3a: {  	_ =	swait.ge [sflag:s19], $0x2000  }
0x3b: {  	[sflag:s19] =	ssyncset.done $0x0  }
0x3c: {  	s29 =	simm.s32 $0x4F00;
	[sflag:s19] =	ssyncadd.s32 $0xFFFFE000  }
0x3d: {  	[spmem:s2] =	stream.indirect.scatter.add.f32 [tilespmem:s16], [sflag:$0x3], $0x40, s29, s17, $0xb8;
	[tilespmem:$0x17A80] =	vst v63  }
0x3e: {  	_ =	swait.ge [sflag:s14], $0x2000  }
0x3f: {  	[sflag:s14] =	ssyncset.done $0x0  }
0x40: {  	s30 =	simm.s32 $0x100;
	[sflag:s14] =	ssyncadd.s32 $0xFFFFE000  }
0x41: {  	[tilespmem:s16], [sflag:$0x1] =	stream.indirect.gather [hbm4b:s11+s17], $0x40, s30, s17, $0xb8;
	[tilespmem:$0x17A80] =	vst v63  }
0x42: {  	_ =	swait.ge [sflag:s20], $0x2000  }
0x43: {  	[sflag:s20] =	ssyncset.done $0x0  }
0x44: {  	s31 =	simm.s32 $0x4F80;
	[sflag:s20] =	ssyncadd.s32 $0xFFFFE000  }
0x45: {  	[spmem:s2] =	stream.indirect.scatter.add.f32 [tilespmem:s18], [sflag:$0x3], $0x40, s31, s17, $0xb8;
	[tilespmem:$0x17A80] =	vst v63  }
0x46: {  	_ =	swait.ge [sflag:s14], $0x2000  }
0x47: {  	[sflag:s14] =	ssyncset.done $0x0  }
0x48: {  	s24 =	simm.s32 $0x400;
	s25 =	simm.s32 $0x180;
	[sflag:s14] =	ssyncadd.s32 $0xFFFFE000  }
.LBB2_4:
0x49: {  	[tilespmem:s18], [sflag:$0x2] =	stream.indirect.gather [hbm4b:s11+s17], $0x40, s25, s17, $0xb8;
	[tilespmem:$0x17A80] =	vst v63  }
0x4a: {  	s25 =	smov.u32 s24  }
0x4b: {  	p0 =	sne.s32 s24, $0x13400;
	s24 =	sadd.s32 $0x400, s24;
	_ =	swait.ge [sflag:s19], $0x2000  }
0x4c: {  	s25 =	sshra.s32 s25, $0x2;
	[sflag:s19] =	ssyncset.done $0x0  }
0x4d: {  	s26 =	sadd.s32 $0x4F00, s25;
	[sflag:s19] =	ssyncadd.s32 $0xFFFFE000  }
0x4e: {  	[spmem:s2] =	stream.indirect.scatter.add.f32 [tilespmem:s16], [sflag:$0x3], $0x40, s26, s17, $0xb8;
	[tilespmem:$0x17A80] =	vst v63  }
0x4f: {  	_ =	swait.ge [sflag:s14], $0x2000  }
0x50: {  	[sflag:s14] =	ssyncset.done $0x0  }
0x51: {  	s26 =	sadd.s32 $0x100, s25;
	[sflag:s14] =	ssyncadd.s32 $0xFFFFE000  }
0x52: {  	[tilespmem:s16], [sflag:$0x1] =	stream.indirect.gather [hbm4b:s11+s17], $0x40, s26, s17, $0xb8;
	[tilespmem:$0x17A80] =	vst v63  }
0x53: {  	_ =	swait.ge [sflag:s20], $0x2000  }
0x54: {  	[sflag:s20] =	ssyncset.done $0x0  }
.Ltmp1:
0x55: {  	s26 =	sadd.s32 $0x4F80, s25;
	[sflag:s20] =	ssyncadd.s32 $0xFFFFE000;
	(pc) =	sbr.rel @p0 .LBB2_4-.Ltmp1, $4  }
0x56: {  	[spmem:s2] =	stream.indirect.scatter.add.f32 [tilespmem:s18], [sflag:$0x3], $0x40, s26, s17, $0xb8;
	[tilespmem:$0x17A80] =	vst v63  }
0x57: {  	_ =	swait.ge [sflag:s14], $0x2000  }
0x58: {  	[sflag:s14] =	ssyncset.done $0x0  }
0x59: {  	s25 =	sadd.s32 $0x180, s25;
	[sflag:s14] =	ssyncadd.s32 $0xFFFFE000  }
0x5a: {  	[tilespmem:s18], [sflag:$0x2] =	stream.indirect.gather [hbm4b:s11+s17], $0x40, s25, s17, $0xb8;
	[tilespmem:$0x17A80] =	vst v63  }
0x5b: {  	_ =	swait.ge [sflag:s19], $0x2000  }
0x5c: {  	[sflag:s19] =	ssyncset.done $0x0  }
0x5d: {  	[sflag:s19] =	ssyncadd.s32 $0xFFFFE000  }
0x5e: {  	[spmem:s2] =	stream.indirect.scatter.add.f32 [tilespmem:s16], [sflag:$0x3], $0x40, s21, s17, $0xb8;
	[tilespmem:$0x17A80] =	vst v63  }
0x5f: {  	_ =	swait.ge [sflag:s14], $0x2000  }
0x60: {  	[sflag:s14] =	ssyncset.done $0x0  }
0x61: {  	[sflag:s14] =	ssyncadd.s32 $0xFFFFE000  }
0x62: {  	_ =	swait.ge [sflag:s20], $0x2000  }
0x63: {  	[sflag:s20] =	ssyncset.done $0x0  }
0x64: {  	[sflag:s20] =	ssyncadd.s32 $0xFFFFE000  }
0x65: {  	[spmem:s2] =	stream.indirect.scatter.add.f32 [tilespmem:s18], [sflag:$0x3], $0x40, s22, s17, $0xb8;
	[tilespmem:$0x17A80] =	vst v63  }
0x66: {  	_ =	swait.ge [sflag:s14], $0x2000  }
0x67: {  	s24 =	sshll.u32 s0, $0x6;
	s23 =	sadd.s32 $0x1, s23;
	[sflag:s14] =	ssyncset.done $0x0  }
0x68: {  	s31 =	sshrl.u32 s6, $0x3;
	p0 =	sne.s32 s23, s13;
	[sflag:s14] =	ssyncadd.s32 $0xFFFFE000  }
.Ltmp2:
0x69: {  	s24 =	sor.u32 $0x1C03, s24;
	[bflag:$0x0] =	sbarrier.arrive $0xFFFF;
	(pc) =	sbr.rel @p0 .LBB2_1-.Ltmp2, $4  }
0x6a: {  	[hbm:s12], [sflag:s24] =	dma.local [spmem:s31], $0x1390  }
0x6b: {  	_ =	swait.ge [sflag:s14], $0x1390  }
0x6c: {  	[sflag:s14] =	ssyncset.done $0x0  }
0x6d: {  	[sflag:s14] =	ssyncadd.s32 $0xFFFFEC70  }
0x6e: {  	_ =	sfence.sel $0x180000  }
0x6f: {  	[bflag:$0x0] =	sbarrier.arrive $0xFFFF  }
0x70: {  	p0 =	sne.s32 s0, $0x0;
	_ =	strace $0x9000004A  }
0x71: {  	s0 =	sadd.s32 @!p0 $0x100000, s1;
	[bflag:$0x2] =	sbarrier.arrive $0xFFFF  }
0x72: {  	[sflag:s0] =	ssyncadd.tile.s32 @!p0 $0x1;
	_ =	shalt  }
.Lfunc_end2:
_tile_overlayer_lowered:
.L_overlay_start_2:
0x73: {  	(tag) =	ssettag $0x2  }
0x74: {  	s0 =	rddreg [dreg:$0x0];
	s2 =	stileid.u32  }
0x75: {  	s1 =	rddreg [dreg:$0x1];
	p0 =	sne.s32 s2, $0x0  }
0x76: {  	s3 =	rddreg [dreg:$0x2];
	[bflag:$0x3] =	sbarrier.arrive $0xFFFF;
	s2 =	simm.s32 @!p0 $0x1C03  }
0x77: {  	[timem:s3], [sflag:s2] =	dma.local @!p0 [hbm:s0], s1  }
0x78: {  	s0 =	simm.s32 @!p0 $0x3  }
0x79: {  	_ =	swait.ge @!p0 [sflag:s0], s1  }
0x7a: {  	s1 =	ssub.s32 @!p0 $0x0, s1;
	[sflag:s0] =	ssyncset.done @!p0 $0x0  }
0x7b: {  	[sflag:s0] =	ssyncadd.s32 @!p0 s1  }
0x7c: {  	[bflag:$0x3] =	sbarrier.arrive $0xFFFF  }
0x7d: {  	_ =	shalt  }

</sc_bundles>
